<compile_context>
chip_gen: v7x
topology: tpu7x:2x2x1
jax: 0.10.2.dev20260603
libtpu: 0.0.44.dev20260713+nightly
codegen_flags: <defaults>
</compile_context>

<pallas_src>
import functools

import jax
import jax.numpy as jnp
from jax import lax
from jax.experimental import pallas as pl
from jax.experimental.pallas import tpu as pltpu
from jax.experimental.pallas import tpu_sc as plsc

R = 128
N = 32768
NC = 2
NS = 16
L = 16
NW = NC * NS
SC_COLS = 8192
CW = SC_COLS // NW
RB = 32
NRB = R // RB
NG = CW // L
CHAIN = 8


def _block_reduce(buf, col, row0, m_in, i_in):
    chains = []
    for c in range(RB // CHAIN):
        r = c * CHAIN
        m = buf[r, col]
        idx = jnp.full((L,), row0 + r, jnp.int32)
        for i in range(r + 1, r + CHAIN):
            v = buf[i, col]
            p = v > m
            m = jnp.where(p, v, m)
            idx = jnp.where(p, row0 + i, idx)
        chains.append((m, idx))
    while len(chains) > 1:
        nxt = []
        for a in range(0, len(chains), 2):
            (ma, ia), (mb, ib) = chains[a], chains[a + 1]
            p = mb > ma
            nxt.append((jnp.where(p, mb, ma), jnp.where(p, ib, ia)))
        chains = nxt
    m, idx = chains[0]
    if m_in is not None:
        p = m > m_in
        m = jnp.where(p, m, m_in)
        idx = jnp.where(p, idx, i_in)
    return m, idx


def _argmax_body(x_hbm, out_hbm, buf0, buf1, mscr, iscr, sem0, sem1, osem):
    wid = lax.axis_index("s") * NC + lax.axis_index("c")
    base = wid * CW
    bufs = (buf0, buf1)
    sems = (sem0, sem1)

    def fetch(rb):
        return pltpu.async_copy(
            x_hbm.at[pl.ds(rb * RB, RB), pl.ds(base, CW)], bufs[rb % 2],
            sems[rb % 2])

    dma = fetch(0)
    for rb in range(NRB):
        nxt = fetch(rb + 1) if rb + 1 < NRB else None
        dma.wait()
        buf = bufs[rb % 2]
        first = rb == 0

        def gbody(g, _, buf=buf, first=first, rb=rb):
            col = pl.ds(g * L, L)
            if first:
                m_in, i_in = None, None
            else:
                m_in, i_in = mscr[col], iscr[col]
            m, idx = _block_reduce(buf, col, rb * RB, m_in, i_in)
            mscr[col] = m
            iscr[col] = idx
            return 0

        lax.fori_loop(0, NG, gbody, 0)
        dma = nxt

    pltpu.async_copy(iscr, out_hbm.at[pl.ds(base, CW)], osem).wait()


_argmax_sc = functools.partial(
    pl.kernel,
    out_type=jax.ShapeDtypeStruct((SC_COLS,), jnp.int32),
    mesh=plsc.VectorSubcoreMesh(core_axis_name="c", subcore_axis_name="s",
                                num_cores=NC, num_subcores=NS),
    scratch_types=[
        pltpu.VMEM((RB, CW), jnp.float32),
        pltpu.VMEM((RB, CW), jnp.float32),
        pltpu.VMEM((CW,), jnp.float32),
        pltpu.VMEM((CW,), jnp.int32),
        pltpu.SemaphoreType.DMA,
        pltpu.SemaphoreType.DMA,
        pltpu.SemaphoreType.DMA,
    ],
)(_argmax_body)


TC_BLK = 2048


def _tc_body(x_ref, o_ref):
    xb = x_ref[...]
    m = jnp.max(xb, axis=0)
    rowid = lax.broadcasted_iota(jnp.int32, xb.shape, 0)
    cand = jnp.where(xb == m[None, :], rowid, R)
    o_ref[...] = jnp.min(cand, axis=0)


def _argmax_tc(x, start, ncols):
    off = start // TC_BLK
    return pl.pallas_call(
        _tc_body,
        grid=(ncols // TC_BLK,),
        in_specs=[pl.BlockSpec((R, TC_BLK), lambda i, off=off: (0, i + off))],
        out_specs=pl.BlockSpec((TC_BLK,), lambda i: (i,)),
        out_shape=jax.ShapeDtypeStruct((ncols,), jnp.int32),
    )(x)


@jax.jit
def kernel(x):
    sc = _argmax_sc(x)
    tc = _argmax_tc(x, SC_COLS, N - SC_COLS)
    return jnp.concatenate([sc, tc]).astype(jnp.int64)

# --- scband reference (transcript-rebuilt; emitter-appended) ---
"""Pipeline reference for scband-arg-max-layer-31662498906295 (READ-ONLY COPY).

The authoritative reference and input builder live on the scoring server;
editing this copy changes nothing except your own understanding.
"""

import jax, jax.numpy as jnp
import numpy as np

def setup_inputs(seed: int = 0) -> dict:
    key = jax.random.key(seed)
    x = jax.random.normal(key, (128, 32768), dtype=jnp.float32)
    return {"x": x}

def reference(x):
    # tf.argmax(x) defaults to axis=0, output dtype int64
    return jnp.argmax(x, axis=0).astype(jnp.int64)

if __name__ == "__main__":
    import jax
    _d = setup_inputs()
    print(jax.jit(kernel)(*tuple(_d.values())))

</pallas_src>

<mosaic_0001>
#map = affine_map<(d0, d1) -> (0, 0)>
#map1 = affine_map<(d0, d1) -> (0)>
module attributes {stable_mosaic.version = 14 : i64} {
  func.func @_argmax_body(%arg0: i32, %arg1: i32, %arg2: memref<128x32768xf32, #tpu.memory_space<hbm>>, %arg3: memref<8192xi32, #tpu.memory_space<hbm>>, %arg4: memref<32x256xf32, #tpu.memory_space<vmem>>, %arg5: memref<32x256xf32, #tpu.memory_space<vmem>>, %arg6: memref<256xf32, #tpu.memory_space<vmem>>, %arg7: memref<256xi32, #tpu.memory_space<vmem>>, %arg8: memref<!tpu.dma_semaphore, #tpu.memory_space<semaphore_mem>>, %arg9: memref<!tpu.dma_semaphore, #tpu.memory_space<semaphore_mem>>, %arg10: memref<!tpu.dma_semaphore, #tpu.memory_space<semaphore_mem>>) attributes {dimension_semantics = [#tpu.dimension_semantics<core_parallel>, #tpu.dimension_semantics<subcore_parallel>], iteration_bounds = array<i64: 2, 16>, scalar_prefetch = 0 : i64, scratch_operands = 7 : i64, tpu.core_type = #tpu.core_type<sc_vector_subcore>, window_params = [{transform_indices = #map}, {transform_indices = #map1}]} {
    %mul3A = arith.constant 2 : i32
    %mul3A_0 = arith.muli %arg1, %mul3A : i32
    %add3A = arith.addi %mul3A_0, %arg0 : i32
    %mul3A_1 = arith.constant 256 : i32
    %mul3A_2 = arith.muli %add3A, %mul3A_1 : i32
    %dma_start3A = arith.constant 0 : i32
    %dma_start3A_3 = tpu.memref_slice %arg2[%dma_start3A, %mul3A_2] : memref<128x32768xf32, #tpu.memory_space<hbm>> -> memref<32x256xf32, #tpu.memory_space<hbm>>
    %dma_start3A_4 = arith.constant 0 : i32
    %dma_start3A_5 = tpu.memref_slice %arg2[%dma_start3A_4, %mul3A_2] : memref<128x32768xf32, #tpu.memory_space<hbm>> -> memref<32x256xf32, #tpu.memory_space<hbm>>
    tpu.enqueue_dma source(%dma_start3A_5 : memref<32x256xf32, #tpu.memory_space<hbm>>) target(%arg4 : memref<32x256xf32, #tpu.memory_space<vmem>>) target_semaphore(%arg8 : memref<!tpu.dma_semaphore, #tpu.memory_space<semaphore_mem>>)
    %dma_start3A_6 = arith.constant 32 : i32
    %dma_start3A_7 = tpu.memref_slice %arg2[%dma_start3A_6, %mul3A_2] : memref<128x32768xf32, #tpu.memory_space<hbm>> -> memref<32x256xf32, #tpu.memory_space<hbm>>
    %dma_start3A_8 = arith.constant 32 : i32
    %dma_start3A_9 = tpu.memref_slice %arg2[%dma_start3A_8, %mul3A_2] : memref<128x32768xf32, #tpu.memory_space<hbm>> -> memref<32x256xf32, #tpu.memory_space<hbm>>
    tpu.enqueue_dma source(%dma_start3A_9 : memref<32x256xf32, #tpu.memory_space<hbm>>) target(%arg5 : memref<32x256xf32, #tpu.memory_space<vmem>>) target_semaphore(%arg9 : memref<!tpu.dma_semaphore, #tpu.memory_space<semaphore_mem>>)
    %dma_wait3A = arith.constant 0 : i32
    %dma_wait3A_10 = tpu.memref_slice %arg2[%dma_wait3A, %mul3A_2] : memref<128x32768xf32, #tpu.memory_space<hbm>> -> memref<32x256xf32, #tpu.memory_space<hbm>>
    %dma_wait3A_11 = arith.constant 0 : i32
    %dma_wait3A_12 = tpu.memref_slice %arg2[%dma_wait3A_11, %mul3A_2] : memref<128x32768xf32, #tpu.memory_space<hbm>> -> memref<32x256xf32, #tpu.memory_space<hbm>>
    tpu.wait_dma2 semaphore(%arg8 : memref<!tpu.dma_semaphore, #tpu.memory_space<semaphore_mem>>) src(%dma_wait3A_12 : memref<32x256xf32, #tpu.memory_space<hbm>>) dst(%arg4 : memref<32x256xf32, #tpu.memory_space<vmem>>)
    %scan3A = arith.constant 0 : i32
    %scan3A_13 = arith.constant 0 : i32
    %scan3A_14 = arith.constant 16 : i32
    %scan3A_15 = arith.addi %scan3A_13, %scan3A_14 : i32
    %scan3A_16 = arith.constant 1 : i32
    %scan3A_17 = scf.for %scan3A_64 = %scan3A_13 to %scan3A_15 step %scan3A_16 iter_args(%scan3A_65 = %scan3A) -> (i32)  : i32 {
      %mul3A_66 = arith.constant 16 : i32
      %mul3A_67 = arith.muli %scan3A_64, %mul3A_66 : i32
      %get3A = arith.constant 0 : i32
      %get3A_68 = arith.index_cast %get3A : i32 to index
      %get3A_69 = arith.index_cast %mul3A_67 : i32 to index
      %get3A_70 = tpu.vector_load %arg4[%get3A_68, %get3A_69] {strides = array<i32>} : memref<32x256xf32, #tpu.memory_space<vmem>>, vector<1x16xf32>,
      %get3A_71 = vector.shape_cast %get3A_70 : vector<1x16xf32> to vector<16xf32>
      %broadcast_in_dim3A = arith.constant 0 : i32
      %broadcast_in_dim3A_72 = vector.broadcast %broadcast_in_dim3A : i32 to vector<16xi32>
      %get3A_73 = arith.constant 1 : i32
      %get3A_74 = arith.index_cast %get3A_73 : i32 to index
      %get3A_75 = arith.index_cast %mul3A_67 : i32 to index
      %get3A_76 = tpu.vector_load %arg4[%get3A_74, %get3A_75] {strides = array<i32>} : memref<32x256xf32, #tpu.memory_space<vmem>>, vector<1x16xf32>,
      %get3A_77 = vector.shape_cast %get3A_76 : vector<1x16xf32> to vector<16xf32>
      %gt3A = arith.cmpf ogt, %get3A_77, %get3A_71 : vector<16xf32>
      %select_n3A = arith.select %gt3A, %get3A_77, %get3A_71 : vector<16xi1>, vector<16xf32>
      %jit3A = arith.constant 1 : i32
      %broadcast_in_dim3A_78 = vector.broadcast %jit3A : i32 to vector<16xi32>
      %select_n3A_79 = arith.select %gt3A, %broadcast_in_dim3A_78, %broadcast_in_dim3A_72 : vector<16xi1>, vector<16xi32>
      %get3A_80 = arith.constant 2 : i32
      %get3A_81 = arith.index_cast %get3A_80 : i32 to index
      %get3A_82 = arith.index_cast %mul3A_67 : i32 to index
      %get3A_83 = tpu.vector_load %arg4[%get3A_81, %get3A_82] {strides = array<i32>} : memref<32x256xf32, #tpu.memory_space<vmem>>, vector<1x16xf32>,
      %get3A_84 = vector.shape_cast %get3A_83 : vector<1x16xf32> to vector<16xf32>
      %gt3A_85 = arith.cmpf ogt, %get3A_84, %select_n3A : vector<16xf32>
      %select_n3A_86 = arith.select %gt3A_85, %get3A_84, %select_n3A : vector<16xi1>, vector<16xf32>
      %jit3A_87 = arith.constant 2 : i32
      %broadcast_in_dim3A_88 = vector.broadcast %jit3A_87 : i32 to vector<16xi32>
      %select_n3A_89 = arith.select %gt3A_85, %broadcast_in_dim3A_88, %select_n3A_79 : vector<16xi1>, vector<16xi32>
      %get3A_90 = arith.constant 3 : i32
      %get3A_91 = arith.index_cast %get3A_90 : i32 to index
      %get3A_92 = arith.index_cast %mul3A_67 : i32 to index
      %get3A_93 = tpu.vector_load %arg4[%get3A_91, %get3A_92] {strides = array<i32>} : memref<32x256xf32, #tpu.memory_space<vmem>>, vector<1x16xf32>,
      %get3A_94 = vector.shape_cast %get3A_93 : vector<1x16xf32> to vector<16xf32>
      %gt3A_95 = arith.cmpf ogt, %get3A_94, %select_n3A_86 : vector<16xf32>
      %select_n3A_96 = arith.select %gt3A_95, %get3A_94, %select_n3A_86 : vector<16xi1>, vector<16xf32>
      %jit3A_97 = arith.constant 3 : i32
      %broadcast_in_dim3A_98 = vector.broadcast %jit3A_97 : i32 to vector<16xi32>
      %select_n3A_99 = arith.select %gt3A_95, %broadcast_in_dim3A_98, %select_n3A_89 : vector<16xi1>, vector<16xi32>
      %get3A_100 = arith.constant 4 : i32
      %get3A_101 = arith.index_cast %get3A_100 : i32 to index
      %get3A_102 = arith.index_cast %mul3A_67 : i32 to index
      %get3A_103 = tpu.vector_load %arg4[%get3A_101, %get3A_102] {strides = array<i32>} : memref<32x256xf32, #tpu.memory_space<vmem>>, vector<1x16xf32>,
      %get3A_104 = vector.shape_cast %get3A_103 : vector<1x16xf32> to vector<16xf32>
      %gt3A_105 = arith.cmpf ogt, %get3A_104, %select_n3A_96 : vector<16xf32>
      %select_n3A_106 = arith.select %gt3A_105, %get3A_104, %select_n3A_96 : vector<16xi1>, vector<16xf32>
      %jit3A_107 = arith.constant 4 : i32
      %broadcast_in_dim3A_108 = vector.broadcast %jit3A_107 : i32 to vector<16xi32>
      %select_n3A_109 = arith.select %gt3A_105, %broadcast_in_dim3A_108, %select_n3A_99 : vector<16xi1>, vector<16xi32>
      %get3A_110 = arith.constant 5 : i32
      %get3A_111 = arith.index_cast %get3A_110 : i32 to index
      %get3A_112 = arith.index_cast %mul3A_67 : i32 to index
      %get3A_113 = tpu.vector_load %arg4[%get3A_111, %get3A_112] {strides = array<i32>} : memref<32x256xf32, #tpu.memory_space<vmem>>, vector<1x16xf32>,
      %get3A_114 = vector.shape_cast %get3A_113 : vector<1x16xf32> to vector<16xf32>
      %gt3A_115 = arith.cmpf ogt, %get3A_114, %select_n3A_106 : vector<16xf32>
      %select_n3A_116 = arith.select %gt3A_115, %get3A_114, %select_n3A_106 : vector<16xi1>, vector<16xf32>
      %jit3A_117 = arith.constant 5 : i32
      %broadcast_in_dim3A_118 = vector.broadcast %jit3A_117 : i32 to vector<16xi32>
      %select_n3A_119 = arith.select %gt3A_115, %broadcast_in_dim3A_118, %select_n3A_109 : vector<16xi1>, vector<16xi32>
      %get3A_120 = arith.constant 6 : i32
      %get3A_121 = arith.index_cast %get3A_120 : i32 to index
      %get3A_122 = arith.index_cast %mul3A_67 : i32 to index
      %get3A_123 = tpu.vector_load %arg4[%get3A_121, %get3A_122] {strides = array<i32>} : memref<32x256xf32, #tpu.memory_space<vmem>>, vector<1x16xf32>,
      %get3A_124 = vector.shape_cast %get3A_123 : vector<1x16xf32> to vector<16xf32>
      %gt3A_125 = arith.cmpf ogt, %get3A_124, %select_n3A_116 : vector<16xf32>
      %select_n3A_126 = arith.select %gt3A_125, %get3A_124, %select_n3A_116 : vector<16xi1>, vector<16xf32>
      %jit3A_127 = arith.constant 6 : i32
      %broadcast_in_dim3A_128 = vector.broadcast %jit3A_127 : i32 to vector<16xi32>
      %select_n3A_129 = arith.select %gt3A_125, %broadcast_in_dim3A_128, %select_n3A_119 : vector<16xi1>, vector<16xi32>
      %get3A_130 = arith.constant 7 : i32
      %get3A_131 = arith.index_cast %get3A_130 : i32 to index
      %get3A_132 = arith.index_cast %mul3A_67 : i32 to index
      %get3A_133 = tpu.vector_load %arg4[%get3A_131, %get3A_132] {strides = array<i32>} : memref<32x256xf32, #tpu.memory_space<vmem>>, vector<1x16xf32>,
      %get3A_134 = vector.shape_cast %get3A_133 : vector<1x16xf32> to vector<16xf32>
      %gt3A_135 = arith.cmpf ogt, %get3A_134, %select_n3A_126 : vector<16xf32>
      %select_n3A_136 = arith.select %gt3A_135, %get3A_134, %select_n3A_126 : vector<16xi1>, vector<16xf32>
      %jit3A_137 = arith.constant 7 : i32
      %broadcast_in_dim3A_138 = vector.broadcast %jit3A_137 : i32 to vector<16xi32>
      %select_n3A_139 = arith.select %gt3A_135, %broadcast_in_dim3A_138, %select_n3A_129 : vector<16xi1>, vector<16xi32>
      %get3A_140 = arith.constant 8 : i32
      %get3A_141 = arith.index_cast %get3A_140 : i32 to index
      %get3A_142 = arith.index_cast %mul3A_67 : i32 to index
      %get3A_143 = tpu.vector_load %arg4[%get3A_141, %get3A_142] {strides = array<i32>} : memref<32x256xf32, #tpu.memory_space<vmem>>, vector<1x16xf32>,
      %get3A_144 = vector.shape_cast %get3A_143 : vector<1x16xf32> to vector<16xf32>
      %broadcast_in_dim3A_145 = arith.constant 8 : i32
      %broadcast_in_dim3A_146 = vector.broadcast %broadcast_in_dim3A_145 : i32 to vector<16xi32>
      %get3A_147 = arith.constant 9 : i32
      %get3A_148 = arith.index_cast %get3A_147 : i32 to index
      %get3A_149 = arith.index_cast %mul3A_67 : i32 to index
      %get3A_150 = tpu.vector_load %arg4[%get3A_148, %get3A_149] {strides = array<i32>} : memref<32x256xf32, #tpu.memory_space<vmem>>, vector<1x16xf32>,
      %get3A_151 = vector.shape_cast %get3A_150 : vector<1x16xf32> to vector<16xf32>
      %gt3A_152 = arith.cmpf ogt, %get3A_151, %get3A_144 : vector<16xf32>
      %select_n3A_153 = arith.select %gt3A_152, %get3A_151, %get3A_144 : vector<16xi1>, vector<16xf32>
      %jit3A_154 = arith.constant 9 : i32
      %broadcast_in_dim3A_155 = vector.broadcast %jit3A_154 : i32 to vector<16xi32>
      %select_n3A_156 = arith.select %gt3A_152, %broadcast_in_dim3A_155, %broadcast_in_dim3A_146 : vector<16xi1>, vector<16xi32>
      %get3A_157 = arith.constant 10 : i32
      %get3A_158 = arith.index_cast %get3A_157 : i32 to index
      %get3A_159 = arith.index_cast %mul3A_67 : i32 to index
      %get3A_160 = tpu.vector_load %arg4[%get3A_158, %get3A_159] {strides = array<i32>} : memref<32x256xf32, #tpu.memory_space<vmem>>, vector<1x16xf32>,
      %get3A_161 = vector.shape_cast %get3A_160 : vector<1x16xf32> to vector<16xf32>
      %gt3A_162 = arith.cmpf ogt, %get3A_161, %select_n3A_153 : vector<16xf32>
      %select_n3A_163 = arith.select %gt3A_162, %get3A_161, %select_n3A_153 : vector<16xi1>, vector<16xf32>
      %jit3A_164 = arith.constant 10 : i32
      %broadcast_in_dim3A_165 = vector.broadcast %jit3A_164 : i32 to vector<16xi32>
      %select_n3A_166 = arith.select %gt3A_162, %broadcast_in_dim3A_165, %select_n3A_156 : vector<16xi1>, vector<16xi32>
      %get3A_167 = arith.constant 11 : i32
      %get3A_168 = arith.index_cast %get3A_167 : i32 to index
      %get3A_169 = arith.index_cast %mul3A_67 : i32 to index
      %get3A_170 = tpu.vector_load %arg4[%get3A_168, %get3A_169] {strides = array<i32>} : memref<32x256xf32, #tpu.memory_space<vmem>>, vector<1x16xf32>,
      %get3A_171 = vector.shape_cast %get3A_170 : vector<1x16xf32> to vector<16xf32>
      %gt3A_172 = arith.cmpf ogt, %get3A_171, %select_n3A_163 : vector<16xf32>
      %select_n3A_173 = arith.select %gt3A_172, %get3A_171, %select_n3A_163 : vector<16xi1>, vector<16xf32>
      %jit3A_174 = arith.constant 11 : i32
      %broadcast_in_dim3A_175 = vector.broadcast %jit3A_174 : i32 to vector<16xi32>
      %select_n3A_176 = arith.select %gt3A_172, %broadcast_in_dim3A_175, %select_n3A_166 : vector<16xi1>, vector<16xi32>
      %get3A_177 = arith.constant 12 : i32
      %get3A_178 = arith.index_cast %get3A_177 : i32 to index
      %get3A_179 = arith.index_cast %mul3A_67 : i32 to index
      %get3A_180 = tpu.vector_load %arg4[%get3A_178, %get3A_179] {strides = array<i32>} : memref<32x256xf32, #tpu.memory_space<vmem>>, vector<1x16xf32>,
      %get3A_181 = vector.shape_cast %get3A_180 : vector<1x16xf32> to vector<16xf32>
      %gt3A_182 = arith.cmpf ogt, %get3A_181, %select_n3A_173 : vector<16xf32>
      %select_n3A_183 = arith.select %gt3A_182, %get3A_181, %select_n3A_173 : vector<16xi1>, vector<16xf32>
      %jit3A_184 = arith.constant 12 : i32
      %broadcast_in_dim3A_185 = vector.broadcast %jit3A_184 : i32 to vector<16xi32>
      %select_n3A_186 = arith.select %gt3A_182, %broadcast_in_dim3A_185, %select_n3A_176 : vector<16xi1>, vector<16xi32>
      %get3A_187 = arith.constant 13 : i32
      %get3A_188 = arith.index_cast %get3A_187 : i32 to index
      %get3A_189 = arith.index_cast %mul3A_67 : i32 to index
      %get3A_190 = tpu.vector_load %arg4[%get3A_188, %get3A_189] {strides = array<i32>} : memref<32x256xf32, #tpu.memory_space<vmem>>, vector<1x16xf32>,
      %get3A_191 = vector.shape_cast %get3A_190 : vector<1x16xf32> to vector<16xf32>
      %gt3A_192 = arith.cmpf ogt, %get3A_191, %select_n3A_183 : vector<16xf32>
      %select_n3A_193 = arith.select %gt3A_192, %get3A_191, %select_n3A_183 : vector<16xi1>, vector<16xf32>
      %jit3A_194 = arith.constant 13 : i32
      %broadcast_in_dim3A_195 = vector.broadcast %jit3A_194 : i32 to vector<16xi32>
      %select_n3A_196 = arith.select %gt3A_192, %broadcast_in_dim3A_195, %select_n3A_186 : vector<16xi1>, vector<16xi32>
      %get3A_197 = arith.constant 14 : i32
      %get3A_198 = arith.index_cast %get3A_197 : i32 to index
      %get3A_199 = arith.index_cast %mul3A_67 : i32 to index
      %get3A_200 = tpu.vector_load %arg4[%get3A_198, %get3A_199] {strides = array<i32>} : memref<32x256xf32, #tpu.memory_space<vmem>>, vector<1x16xf32>,
      %get3A_201 = vector.shape_cast %get3A_200 : vector<1x16xf32> to vector<16xf32>
      %gt3A_202 = arith.cmpf ogt, %get3A_201, %select_n3A_193 : vector<16xf32>
      %select_n3A_203 = arith.select %gt3A_202, %get3A_201, %select_n3A_193 : vector<16xi1>, vector<16xf32>
      %jit3A_204 = arith.constant 14 : i32
      %broadcast_in_dim3A_205 = vector.broadcast %jit3A_204 : i32 to vector<16xi32>
      %select_n3A_206 = arith.select %gt3A_202, %broadcast_in_dim3A_205, %select_n3A_196 : vector<16xi1>, vector<16xi32>
      %get3A_207 = arith.constant 15 : i32
      %get3A_208 = arith.index_cast %get3A_207 : i32 to index
      %get3A_209 = arith.index_cast %mul3A_67 : i32 to index
      %get3A_210 = tpu.vector_load %arg4[%get3A_208, %get3A_209] {strides = array<i32>} : memref<32x256xf32, #tpu.memory_space<vmem>>, vector<1x16xf32>,
      %get3A_211 = vector.shape_cast %get3A_210 : vector<1x16xf32> to vector<16xf32>
      %gt3A_212 = arith.cmpf ogt, %get3A_211, %select_n3A_203 : vector<16xf32>
      %select_n3A_213 = arith.select %gt3A_212, %get3A_211, %select_n3A_203 : vector<16xi1>, vector<16xf32>
      %jit3A_214 = arith.constant 15 : i32
      %broadcast_in_dim3A_215 = vector.broadcast %jit3A_214 : i32 to vector<16xi32>
      %select_n3A_216 = arith.select %gt3A_212, %broadcast_in_dim3A_215, %select_n3A_206 : vector<16xi1>, vector<16xi32>
      %get3A_217 = arith.constant 16 : i32
      %get3A_218 = arith.index_cast %get3A_217 : i32 to index
      %get3A_219 = arith.index_cast %mul3A_67 : i32 to index
      %get3A_220 = tpu.vector_load %arg4[%get3A_218, %get3A_219] {strides = array<i32>} : memref<32x256xf32, #tpu.memory_space<vmem>>, vector<1x16xf32>,
      %get3A_221 = vector.shape_cast %get3A_220 : vector<1x16xf32> to vector<16xf32>
      %broadcast_in_dim3A_222 = arith.constant 16 : i32
      %broadcast_in_dim3A_223 = vector.broadcast %broadcast_in_dim3A_222 : i32 to vector<16xi32>
      %get3A_224 = arith.constant 17 : i32
      %get3A_225 = arith.index_cast %get3A_224 : i32 to index
      %get3A_226 = arith.index_cast %mul3A_67 : i32 to index
      %get3A_227 = tpu.vector_load %arg4[%get3A_225, %get3A_226] {strides = array<i32>} : memref<32x256xf32, #tpu.memory_space<vmem>>, vector<1x16xf32>,
      %get3A_228 = vector.shape_cast %get3A_227 : vector<1x16xf32> to vector<16xf32>
      %gt3A_229 = arith.cmpf ogt, %get3A_228, %get3A_221 : vector<16xf32>
      %select_n3A_230 = arith.select %gt3A_229, %get3A_228, %get3A_221 : vector<16xi1>, vector<16xf32>
      %jit3A_231 = arith.constant 17 : i32
      %broadcast_in_dim3A_232 = vector.broadcast %jit3A_231 : i32 to vector<16xi32>
      %select_n3A_233 = arith.select %gt3A_229, %broadcast_in_dim3A_232, %broadcast_in_dim3A_223 : vector<16xi1>, vector<16xi32>
      %get3A_234 = arith.constant 18 : i32
      %get3A_235 = arith.index_cast %get3A_234 : i32 to index
      %get3A_236 = arith.index_cast %mul3A_67 : i32 to index
      %get3A_237 = tpu.vector_load %arg4[%get3A_235, %get3A_236] {strides = array<i32>} : memref<32x256xf32, #tpu.memory_space<vmem>>, vector<1x16xf32>,
      %get3A_238 = vector.shape_cast %get3A_237 : vector<1x16xf32> to vector<16xf32>
      %gt3A_239 = arith.cmpf ogt, %get3A_238, %select_n3A_230 : vector<16xf32>
      %select_n3A_240 = arith.select %gt3A_239, %get3A_238, %select_n3A_230 : vector<16xi1>, vector<16xf32>
      %jit3A_241 = arith.constant 18 : i32
      %broadcast_in_dim3A_242 = vector.broadcast %jit3A_241 : i32 to vector<16xi32>
      %select_n3A_243 = arith.select %gt3A_239, %broadcast_in_dim3A_242, %select_n3A_233 : vector<16xi1>, vector<16xi32>
      %get3A_244 = arith.constant 19 : i32
      %get3A_245 = arith.index_cast %get3A_244 : i32 to index
      %get3A_246 = arith.index_cast %mul3A_67 : i32 to index
      %get3A_247 = tpu.vector_load %arg4[%get3A_245, %get3A_246] {strides = array<i32>} : memref<32x256xf32, #tpu.memory_space<vmem>>, vector<1x16xf32>,
      %get3A_248 = vector.shape_cast %get3A_247 : vector<1x16xf32> to vector<16xf32>
      %gt3A_249 = arith.cmpf ogt, %get3A_248, %select_n3A_240 : vector<16xf32>
      %select_n3A_250 = arith.select %gt3A_249, %get3A_248, %select_n3A_240 : vector<16xi1>, vector<16xf32>
      %jit3A_251 = arith.constant 19 : i32
      %broadcast_in_dim3A_252 = vector.broadcast %jit3A_251 : i32 to vector<16xi32>
      %select_n3A_253 = arith.select %gt3A_249, %broadcast_in_dim3A_252, %select_n3A_243 : vector<16xi1>, vector<16xi32>
      %get3A_254 = arith.constant 20 : i32
      %get3A_255 = arith.index_cast %get3A_254 : i32 to index
      %get3A_256 = arith.index_cast %mul3A_67 : i32 to index
      %get3A_257 = tpu.vector_load %arg4[%get3A_255, %get3A_256] {strides = array<i32>} : memref<32x256xf32, #tpu.memory_space<vmem>>, vector<1x16xf32>,
      %get3A_258 = vector.shape_cast %get3A_257 : vector<1x16xf32> to vector<16xf32>
      %gt3A_259 = arith.cmpf ogt, %get3A_258, %select_n3A_250 : vector<16xf32>
      %select_n3A_260 = arith.select %gt3A_259, %get3A_258, %select_n3A_250 : vector<16xi1>, vector<16xf32>
      %jit3A_261 = arith.constant 20 : i32
      %broadcast_in_dim3A_262 = vector.broadcast %jit3A_261 : i32 to vector<16xi32>
      %select_n3A_263 = arith.select %gt3A_259, %broadcast_in_dim3A_262, %select_n3A_253 : vector<16xi1>, vector<16xi32>
      %get3A_264 = arith.constant 21 : i32
      %get3A_265 = arith.index_cast %get3A_264 : i32 to index
      %get3A_266 = arith.index_cast %mul3A_67 : i32 to index
      %get3A_267 = tpu.vector_load %arg4[%get3A_265, %get3A_266] {strides = array<i32>} : memref<32x256xf32, #tpu.memory_space<vmem>>, vector<1x16xf32>,
      %get3A_268 = vector.shape_cast %get3A_267 : vector<1x16xf32> to vector<16xf32>
      %gt3A_269 = arith.cmpf ogt, %get3A_268, %select_n3A_260 : vector<16xf32>
      %select_n3A_270 = arith.select %gt3A_269, %get3A_268, %select_n3A_260 : vector<16xi1>, vector<16xf32>
      %jit3A_271 = arith.constant 21 : i32
      %broadcast_in_dim3A_272 = vector.broadcast %jit3A_271 : i32 to vector<16xi32>
      %select_n3A_273 = arith.select %gt3A_269, %broadcast_in_dim3A_272, %select_n3A_263 : vector<16xi1>, vector<16xi32>
      %get3A_274 = arith.constant 22 : i32
      %get3A_275 = arith.index_cast %get3A_274 : i32 to index
      %get3A_276 = arith.index_cast %mul3A_67 : i32 to index
      %get3A_277 = tpu.vector_load %arg4[%get3A_275, %get3A_276] {strides = array<i32>} : memref<32x256xf32, #tpu.memory_space<vmem>>, vector<1x16xf32>,
      %get3A_278 = vector.shape_cast %get3A_277 : vector<1x16xf32> to vector<16xf32>
      %gt3A_279 = arith.cmpf ogt, %get3A_278, %select_n3A_270 : vector<16xf32>
      %select_n3A_280 = arith.select %gt3A_279, %get3A_278, %select_n3A_270 : vector<16xi1>, vector<16xf32>
      %jit3A_281 = arith.constant 22 : i32
      %broadcast_in_dim3A_282 = vector.broadcast %jit3A_281 : i32 to vector<16xi32>
      %select_n3A_283 = arith.select %gt3A_279, %broadcast_in_dim3A_282, %select_n3A_273 : vector<16xi1>, vector<16xi32>
      %get3A_284 = arith.constant 23 : i32
      %get3A_285 = arith.index_cast %get3A_284 : i32 to index
      %get3A_286 = arith.index_cast %mul3A_67 : i32 to index
      %get3A_287 = tpu.vector_load %arg4[%get3A_285, %get3A_286] {strides = array<i32>} : memref<32x256xf32, #tpu.memory_space<vmem>>, vector<1x16xf32>,
      %get3A_288 = vector.shape_cast %get3A_287 : vector<1x16xf32> to vector<16xf32>
      %gt3A_289 = arith.cmpf ogt, %get3A_288, %select_n3A_280 : vector<16xf32>
      %select_n3A_290 = arith.select %gt3A_289, %get3A_288, %select_n3A_280 : vector<16xi1>, vector<16xf32>
      %jit3A_291 = arith.constant 23 : i32
      %broadcast_in_dim3A_292 = vector.broadcast %jit3A_291 : i32 to vector<16xi32>
      %select_n3A_293 = arith.select %gt3A_289, %broadcast_in_dim3A_292, %select_n3A_283 : vector<16xi1>, vector<16xi32>
      %get3A_294 = arith.constant 24 : i32
      %get3A_295 = arith.index_cast %get3A_294 : i32 to index
      %get3A_296 = arith.index_cast %mul3A_67 : i32 to index
      %get3A_297 = tpu.vector_load %arg4[%get3A_295, %get3A_296] {strides = array<i32>} : memref<32x256xf32, #tpu.memory_space<vmem>>, vector<1x16xf32>,
      %get3A_298 = vector.shape_cast %get3A_297 : vector<1x16xf32> to vector<16xf32>
      %broadcast_in_dim3A_299 = arith.constant 24 : i32
      %broadcast_in_dim3A_300 = vector.broadcast %broadcast_in_dim3A_299 : i32 to vector<16xi32>
      %get3A_301 = arith.constant 25 : i32
      %get3A_302 = arith.index_cast %get3A_301 : i32 to index
      %get3A_303 = arith.index_cast %mul3A_67 : i32 to index
      %get3A_304 = tpu.vector_load %arg4[%get3A_302, %get3A_303] {strides = array<i32>} : memref<32x256xf32, #tpu.memory_space<vmem>>, vector<1x16xf32>,
      %get3A_305 = vector.shape_cast %get3A_304 : vector<1x16xf32> to vector<16xf32>
      %gt3A_306 = arith.cmpf ogt, %get3A_305, %get3A_298 : vector<16xf32>
      %select_n3A_307 = arith.select %gt3A_306, %get3A_305, %get3A_298 : vector<16xi1>, vector<16xf32>
      %jit3A_308 = arith.constant 25 : i32
      %broadcast_in_dim3A_309 = vector.broadcast %jit3A_308 : i32 to vector<16xi32>
      %select_n3A_310 = arith.select %gt3A_306, %broadcast_in_dim3A_309, %broadcast_in_dim3A_300 : vector<16xi1>, vector<16xi32>
      %get3A_311 = arith.constant 26 : i32
      %get3A_312 = arith.index_cast %get3A_311 : i32 to index
      %get3A_313 = arith.index_cast %mul3A_67 : i32 to index
      %get3A_314 = tpu.vector_load %arg4[%get3A_312, %get3A_313] {strides = array<i32>} : memref<32x256xf32, #tpu.memory_space<vmem>>, vector<1x16xf32>,
      %get3A_315 = vector.shape_cast %get3A_314 : vector<1x16xf32> to vector<16xf32>
      %gt3A_316 = arith.cmpf ogt, %get3A_315, %select_n3A_307 : vector<16xf32>
      %select_n3A_317 = arith.select %gt3A_316, %get3A_315, %select_n3A_307 : vector<16xi1>, vector<16xf32>
      %jit3A_318 = arith.constant 26 : i32
      %broadcast_in_dim3A_319 = vector.broadcast %jit3A_318 : i32 to vector<16xi32>
      %select_n3A_320 = arith.select %gt3A_316, %broadcast_in_dim3A_319, %select_n3A_310 : vector<16xi1>, vector<16xi32>
      %get3A_321 = arith.constant 27 : i32
      %get3A_322 = arith.index_cast %get3A_321 : i32 to index
      %get3A_323 = arith.index_cast %mul3A_67 : i32 to index
      %get3A_324 = tpu.vector_load %arg4[%get3A_322, %get3A_323] {strides = array<i32>} : memref<32x256xf32, #tpu.memory_space<vmem>>, vector<1x16xf32>,
      %get3A_325 = vector.shape_cast %get3A_324 : vector<1x16xf32> to vector<16xf32>
      %gt3A_326 = arith.cmpf ogt, %get3A_325, %select_n3A_317 : vector<16xf32>
      %select_n3A_327 = arith.select %gt3A_326, %get3A_325, %select_n3A_317 : vector<16xi1>, vector<16xf32>
      %jit3A_328 = arith.constant 27 : i32
      %broadcast_in_dim3A_329 = vector.broadcast %jit3A_328 : i32 to vector<16xi32>
      %select_n3A_330 = arith.select %gt3A_326, %broadcast_in_dim3A_329, %select_n3A_320 : vector<16xi1>, vector<16xi32>
      %get3A_331 = arith.constant 28 : i32
      %get3A_332 = arith.index_cast %get3A_331 : i32 to index
      %get3A_333 = arith.index_cast %mul3A_67 : i32 to index
      %get3A_334 = tpu.vector_load %arg4[%get3A_332, %get3A_333] {strides = array<i32>} : memref<32x256xf32, #tpu.memory_space<vmem>>, vector<1x16xf32>,
      %get3A_335 = vector.shape_cast %get3A_334 : vector<1x16xf32> to vector<16xf32>
      %gt3A_336 = arith.cmpf ogt, %get3A_335, %select_n3A_327 : vector<16xf32>
      %select_n3A_337 = arith.select %gt3A_336, %get3A_335, %select_n3A_327 : vector<16xi1>, vector<16xf32>
      %jit3A_338 = arith.constant 28 : i32
      %broadcast_in_dim3A_339 = vector.broadcast %jit3A_338 : i32 to vector<16xi32>
      %select_n3A_340 = arith.select %gt3A_336, %broadcast_in_dim3A_339, %select_n3A_330 : vector<16xi1>, vector<16xi32>
      %get3A_341 = arith.constant 29 : i32
      %get3A_342 = arith.index_cast %get3A_341 : i32 to index
      %get3A_343 = arith.index_cast %mul3A_67 : i32 to index
      %get3A_344 = tpu.vector_load %arg4[%get3A_342, %get3A_343] {strides = array<i32>} : memref<32x256xf32, #tpu.memory_space<vmem>>, vector<1x16xf32>,
      %get3A_345 = vector.shape_cast %get3A_344 : vector<1x16xf32> to vector<16xf32>
      %gt3A_346 = arith.cmpf ogt, %get3A_345, %select_n3A_337 : vector<16xf32>
      %select_n3A_347 = arith.select %gt3A_346, %get3A_345, %select_n3A_337 : vector<16xi1>, vector<16xf32>
      %jit3A_348 = arith.constant 29 : i32
      %broadcast_in_dim3A_349 = vector.broadcast %jit3A_348 : i32 to vector<16xi32>
      %select_n3A_350 = arith.select %gt3A_346, %broadcast_in_dim3A_349, %select_n3A_340 : vector<16xi1>, vector<16xi32>
      %get3A_351 = arith.constant 30 : i32
      %get3A_352 = arith.index_cast %get3A_351 : i32 to index
      %get3A_353 = arith.index_cast %mul3A_67 : i32 to index
      %get3A_354 = tpu.vector_load %arg4[%get3A_352, %get3A_353] {strides = array<i32>} : memref<32x256xf32, #tpu.memory_space<vmem>>, vector<1x16xf32>,
      %get3A_355 = vector.shape_cast %get3A_354 : vector<1x16xf32> to vector<16xf32>
      %gt3A_356 = arith.cmpf ogt, %get3A_355, %select_n3A_347 : vector<16xf32>
      %select_n3A_357 = arith.select %gt3A_356, %get3A_355, %select_n3A_347 : vector<16xi1>, vector<16xf32>
      %jit3A_358 = arith.constant 30 : i32
      %broadcast_in_dim3A_359 = vector.broadcast %jit3A_358 : i32 to vector<16xi32>
      %select_n3A_360 = arith.select %gt3A_356, %broadcast_in_dim3A_359, %select_n3A_350 : vector<16xi1>, vector<16xi32>
      %get3A_361 = arith.constant 31 : i32
      %get3A_362 = arith.index_cast %get3A_361 : i32 to index
      %get3A_363 = arith.index_cast %mul3A_67 : i32 to index
      %get3A_364 = tpu.vector_load %arg4[%get3A_362, %get3A_363] {strides = array<i32>} : memref<32x256xf32, #tpu.memory_space<vmem>>, vector<1x16xf32>,
      %get3A_365 = vector.shape_cast %get3A_364 : vector<1x16xf32> to vector<16xf32>
      %gt3A_366 = arith.cmpf ogt, %get3A_365, %select_n3A_357 : vector<16xf32>
      %select_n3A_367 = arith.select %gt3A_366, %get3A_365, %select_n3A_357 : vector<16xi1>, vector<16xf32>
      %jit3A_368 = arith.constant 31 : i32
      %broadcast_in_dim3A_369 = vector.broadcast %jit3A_368 : i32 to vector<16xi32>
      %select_n3A_370 = arith.select %gt3A_366, %broadcast_in_dim3A_369, %select_n3A_360 : vector<16xi1>, vector<16xi32>
      %gt3A_371 = arith.cmpf ogt, %select_n3A_213, %select_n3A_136 : vector<16xf32>
      %select_n3A_372 = arith.select %gt3A_371, %select_n3A_213, %select_n3A_136 : vector<16xi1>, vector<16xf32>
      %select_n3A_373 = arith.select %gt3A_371, %select_n3A_216, %select_n3A_139 : vector<16xi1>, vector<16xi32>
      %gt3A_374 = arith.cmpf ogt, %select_n3A_367, %select_n3A_290 : vector<16xf32>
      %select_n3A_375 = arith.select %gt3A_374, %select_n3A_367, %select_n3A_290 : vector<16xi1>, vector<16xf32>
      %select_n3A_376 = arith.select %gt3A_374, %select_n3A_370, %select_n3A_293 : vector<16xi1>, vector<16xi32>
      %gt3A_377 = arith.cmpf ogt, %select_n3A_375, %select_n3A_372 : vector<16xf32>
      %select_n3A_378 = arith.select %gt3A_377, %select_n3A_375, %select_n3A_372 : vector<16xi1>, vector<16xf32>
      %select_n3A_379 = arith.select %gt3A_377, %select_n3A_376, %select_n3A_373 : vector<16xi1>, vector<16xi32>
      %swap3A = arith.index_cast %mul3A_67 : i32 to index
      %swap3A_380 = tpu.vector_load %arg6[%swap3A] {strides = array<i32>} : memref<256xf32, #tpu.memory_space<vmem>>, vector<16xf32>,
      %swap3A_381 = vector.shape_cast %swap3A_380 : vector<16xf32> to vector<16xf32>
      %swap3A_382 = vector.shape_cast %select_n3A_378 : vector<16xf32> to vector<16xf32>
      tpu.vector_store %arg6[%swap3A], %swap3A_382 {strides = array<i32>} : memref<256xf32, #tpu.memory_space<vmem>>, vector<16xf32>,
      %swap3A_383 = arith.index_cast %mul3A_67 : i32 to index
      %swap3A_384 = tpu.vector_load %arg7[%swap3A_383] {strides = array<i32>} : memref<256xi32, #tpu.memory_space<vmem>>, vector<16xi32>,
      %swap3A_385 = vector.shape_cast %swap3A_384 : vector<16xi32> to vector<16xi32>
      %swap3A_386 = vector.shape_cast %select_n3A_379 : vector<16xi32> to vector<16xi32>
      tpu.vector_store %arg7[%swap3A_383], %swap3A_386 {strides = array<i32>} : memref<256xi32, #tpu.memory_space<vmem>>, vector<16xi32>,
      %scan3A_387 = arith.constant 0 : i32
      scf.yield %scan3A_387 : i32
    }
    %scan3A_18 = arith.constant 16 : i32
    %dma_start3A_19 = arith.constant 64 : i32
    %dma_start3A_20 = tpu.memref_slice %arg2[%dma_start3A_19, %mul3A_2] : memref<128x32768xf32, #tpu.memory_space<hbm>> -> memref<32x256xf32, #tpu.memory_space<hbm>>
    %dma_start3A_21 = arith.constant 64 : i32
    %dma_start3A_22 = tpu.memref_slice %arg2[%dma_start3A_21, %mul3A_2] : memref<128x32768xf32, #tpu.memory_space<hbm>> -> memref<32x256xf32, #tpu.memory_space<hbm>>
    tpu.enqueue_dma source(%dma_start3A_22 : memref<32x256xf32, #tpu.memory_space<hbm>>) target(%arg4 : memref<32x256xf32, #tpu.memory_space<vmem>>) target_semaphore(%arg8 : memref<!tpu.dma_semaphore, #tpu.memory_space<semaphore_mem>>)
    %dma_wait3A_23 = arith.constant 32 : i32
    %dma_wait3A_24 = tpu.memref_slice %arg2[%dma_wait3A_23, %mul3A_2] : memref<128x32768xf32, #tpu.memory_space<hbm>> -> memref<32x256xf32, #tpu.memory_space<hbm>>
    %dma_wait3A_25 = arith.constant 32 : i32
    %dma_wait3A_26 = tpu.memref_slice %arg2[%dma_wait3A_25, %mul3A_2] : memref<128x32768xf32, #tpu.memory_space<hbm>> -> memref<32x256xf32, #tpu.memory_space<hbm>>
    tpu.wait_dma2 semaphore(%arg9 : memref<!tpu.dma_semaphore, #tpu.memory_space<semaphore_mem>>) src(%dma_wait3A_26 : memref<32x256xf32, #tpu.memory_space<hbm>>) dst(%arg5 : memref<32x256xf32, #tpu.memory_space<vmem>>)
    %scan3A_27 = arith.constant 0 : i32
    %scan3A_28 = arith.constant 0 : i32
    %scan3A_29 = arith.constant 16 : i32
    %scan3A_30 = arith.addi %scan3A_28, %scan3A_29 : i32
    %scan3A_31 = arith.constant 1 : i32
    %scan3A_32 = scf.for %scan3A_64 = %scan3A_28 to %scan3A_30 step %scan3A_31 iter_args(%scan3A_65 = %scan3A_27) -> (i32)  : i32 {
      %mul3A_66 = arith.constant 16 : i32
      %mul3A_67 = arith.muli %scan3A_64, %mul3A_66 : i32
      %get3A = arith.index_cast %mul3A_67 : i32 to index
      %get3A_68 = tpu.vector_load %arg6[%get3A] {strides = array<i32>} : memref<256xf32, #tpu.memory_space<vmem>>, vector<16xf32>,
      %get3A_69 = vector.shape_cast %get3A_68 : vector<16xf32> to vector<16xf32>
      %get3A_70 = arith.index_cast %mul3A_67 : i32 to index
      %get3A_71 = tpu.vector_load %arg7[%get3A_70] {strides = array<i32>} : memref<256xi32, #tpu.memory_space<vmem>>, vector<16xi32>,
      %get3A_72 = vector.shape_cast %get3A_71 : vector<16xi32> to vector<16xi32>
      %get3A_73 = arith.constant 0 : i32
      %get3A_74 = arith.index_cast %get3A_73 : i32 to index
      %get3A_75 = arith.index_cast %mul3A_67 : i32 to index
      %get3A_76 = tpu.vector_load %arg5[%get3A_74, %get3A_75] {strides = array<i32>} : memref<32x256xf32, #tpu.memory_space<vmem>>, vector<1x16xf32>,
      %get3A_77 = vector.shape_cast %get3A_76 : vector<1x16xf32> to vector<16xf32>
      %broadcast_in_dim3A = arith.constant 32 : i32
      %broadcast_in_dim3A_78 = vector.broadcast %broadcast_in_dim3A : i32 to vector<16xi32>
      %get3A_79 = arith.constant 1 : i32
      %get3A_80 = arith.index_cast %get3A_79 : i32 to index
      %get3A_81 = arith.index_cast %mul3A_67 : i32 to index
      %get3A_82 = tpu.vector_load %arg5[%get3A_80, %get3A_81] {strides = array<i32>} : memref<32x256xf32, #tpu.memory_space<vmem>>, vector<1x16xf32>,
      %get3A_83 = vector.shape_cast %get3A_82 : vector<1x16xf32> to vector<16xf32>
      %gt3A = arith.cmpf ogt, %get3A_83, %get3A_77 : vector<16xf32>
      %select_n3A = arith.select %gt3A, %get3A_83, %get3A_77 : vector<16xi1>, vector<16xf32>
      %jit3A = arith.constant 33 : i32
      %broadcast_in_dim3A_84 = vector.broadcast %jit3A : i32 to vector<16xi32>
      %select_n3A_85 = arith.select %gt3A, %broadcast_in_dim3A_84, %broadcast_in_dim3A_78 : vector<16xi1>, vector<16xi32>
      %get3A_86 = arith.constant 2 : i32
      %get3A_87 = arith.index_cast %get3A_86 : i32 to index
      %get3A_88 = arith.index_cast %mul3A_67 : i32 to index
      %get3A_89 = tpu.vector_load %arg5[%get3A_87, %get3A_88] {strides = array<i32>} : memref<32x256xf32, #tpu.memory_space<vmem>>, vector<1x16xf32>,
      %get3A_90 = vector.shape_cast %get3A_89 : vector<1x16xf32> to vector<16xf32>
      %gt3A_91 = arith.cmpf ogt, %get3A_90, %select_n3A : vector<16xf32>
      %select_n3A_92 = arith.select %gt3A_91, %get3A_90, %select_n3A : vector<16xi1>, vector<16xf32>
      %jit3A_93 = arith.constant 34 : i32
      %broadcast_in_dim3A_94 = vector.broadcast %jit3A_93 : i32 to vector<16xi32>
      %select_n3A_95 = arith.select %gt3A_91, %broadcast_in_dim3A_94, %select_n3A_85 : vector<16xi1>, vector<16xi32>
      %get3A_96 = arith.constant 3 : i32
      %get3A_97 = arith.index_cast %get3A_96 : i32 to index
      %get3A_98 = arith.index_cast %mul3A_67 : i32 to index
      %get3A_99 = tpu.vector_load %arg5[%get3A_97, %get3A_98] {strides = array<i32>} : memref<32x256xf32, #tpu.memory_space<vmem>>, vector<1x16xf32>,
      %get3A_100 = vector.shape_cast %get3A_99 : vector<1x16xf32> to vector<16xf32>
      %gt3A_101 = arith.cmpf ogt, %get3A_100, %select_n3A_92 : vector<16xf32>
      %select_n3A_102 = arith.select %gt3A_101, %get3A_100, %select_n3A_92 : vector<16xi1>, vector<16xf32>
      %jit3A_103 = arith.constant 35 : i32
      %broadcast_in_dim3A_104 = vector.broadcast %jit3A_103 : i32 to vector<16xi32>
      %select_n3A_105 = arith.select %gt3A_101, %broadcast_in_dim3A_104, %select_n3A_95 : vector<16xi1>, vector<16xi32>
      %get3A_106 = arith.constant 4 : i32
      %get3A_107 = arith.index_cast %get3A_106 : i32 to index
      %get3A_108 = arith.index_cast %mul3A_67 : i32 to index
      %get3A_109 = tpu.vector_load %arg5[%get3A_107, %get3A_108] {strides = array<i32>} : memref<32x256xf32, #tpu.memory_space<vmem>>, vector<1x16xf32>,
      %get3A_110 = vector.shape_cast %get3A_109 : vector<1x16xf32> to vector<16xf32>
      %gt3A_111 = arith.cmpf ogt, %get3A_110, %select_n3A_102 : vector<16xf32>
      %select_n3A_112 = arith.select %gt3A_111, %get3A_110, %select_n3A_102 : vector<16xi1>, vector<16xf32>
      %jit3A_113 = arith.constant 36 : i32
      %broadcast_in_dim3A_114 = vector.broadcast %jit3A_113 : i32 to vector<16xi32>
      %select_n3A_115 = arith.select %gt3A_111, %broadcast_in_dim3A_114, %select_n3A_105 : vector<16xi1>, vector<16xi32>
      %get3A_116 = arith.constant 5 : i32
      %get3A_117 = arith.index_cast %get3A_116 : i32 to index
      %get3A_118 = arith.index_cast %mul3A_67 : i32 to index
      %get3A_119 = tpu.vector_load %arg5[%get3A_117, %get3A_118] {strides = array<i32>} : memref<32x256xf32, #tpu.memory_space<vmem>>, vector<1x16xf32>,
      %get3A_120 = vector.shape_cast %get3A_119 : vector<1x16xf32> to vector<16xf32>
      %gt3A_121 = arith.cmpf ogt, %get3A_120, %select_n3A_112 : vector<16xf32>
      %select_n3A_122 = arith.select %gt3A_121, %get3A_120, %select_n3A_112 : vector<16xi1>, vector<16xf32>
      %jit3A_123 = arith.constant 37 : i32
      %broadcast_in_dim3A_124 = vector.broadcast %jit3A_123 : i32 to vector<16xi32>
      %select_n3A_125 = arith.select %gt3A_121, %broadcast_in_dim3A_124, %select_n3A_115 : vector<16xi1>, vector<16xi32>
      %get3A_126 = arith.constant 6 : i32
      %get3A_127 = arith.index_cast %get3A_126 : i32 to index
      %get3A_128 = arith.index_cast %mul3A_67 : i32 to index
      %get3A_129 = tpu.vector_load %arg5[%get3A_127, %get3A_128] {strides = array<i32>} : memref<32x256xf32, #tpu.memory_space<vmem>>, vector<1x16xf32>,
      %get3A_130 = vector.shape_cast %get3A_129 : vector<1x16xf32> to vector<16xf32>
      %gt3A_131 = arith.cmpf ogt, %get3A_130, %select_n3A_122 : vector<16xf32>
      %select_n3A_132 = arith.select %gt3A_131, %get3A_130, %select_n3A_122 : vector<16xi1>, vector<16xf32>
      %jit3A_133 = arith.constant 38 : i32
      %broadcast_in_dim3A_134 = vector.broadcast %jit3A_133 : i32 to vector<16xi32>
      %select_n3A_135 = arith.select %gt3A_131, %broadcast_in_dim3A_134, %select_n3A_125 : vector<16xi1>, vector<16xi32>
      %get3A_136 = arith.constant 7 : i32
      %get3A_137 = arith.index_cast %get3A_136 : i32 to index
      %get3A_138 = arith.index_cast %mul3A_67 : i32 to index
      %get3A_139 = tpu.vector_load %arg5[%get3A_137, %get3A_138] {strides = array<i32>} : memref<32x256xf32, #tpu.memory_space<vmem>>, vector<1x16xf32>,
      %get3A_140 = vector.shape_cast %get3A_139 : vector<1x16xf32> to vector<16xf32>
      %gt3A_141 = arith.cmpf ogt, %get3A_140, %select_n3A_132 : vector<16xf32>
      %select_n3A_142 = arith.select %gt3A_141, %get3A_140, %select_n3A_132 : vector<16xi1>, vector<16xf32>
      %jit3A_143 = arith.constant 39 : i32
      %broadcast_in_dim3A_144 = vector.broadcast %jit3A_143 : i32 to vector<16xi32>
      %select_n3A_145 = arith.select %gt3A_141, %broadcast_in_dim3A_144, %select_n3A_135 : vector<16xi1>, vector<16xi32>
      %get3A_146 = arith.constant 8 : i32
      %get3A_147 = arith.index_cast %get3A_146 : i32 to index
      %get3A_148 = arith.index_cast %mul3A_67 : i32 to index
      %get3A_149 = tpu.vector_load %arg5[%get3A_147, %get3A_148] {strides = array<i32>} : memref<32x256xf32, #tpu.memory_space<vmem>>, vector<1x16xf32>,
      %get3A_150 = vector.shape_cast %get3A_149 : vector<1x16xf32> to vector<16xf32>
      %broadcast_in_dim3A_151 = arith.constant 40 : i32
      %broadcast_in_dim3A_152 = vector.broadcast %broadcast_in_dim3A_151 : i32 to vector<16xi32>
      %get3A_153 = arith.constant 9 : i32
      %get3A_154 = arith.index_cast %get3A_153 : i32 to index
      %get3A_155 = arith.index_cast %mul3A_67 : i32 to index
      %get3A_156 = tpu.vector_load %arg5[%get3A_154, %get3A_155] {strides = array<i32>} : memref<32x256xf32, #tpu.memory_space<vmem>>, vector<1x16xf32>,
      %get3A_157 = vector.shape_cast %get3A_156 : vector<1x16xf32> to vector<16xf32>
      %gt3A_158 = arith.cmpf ogt, %get3A_157, %get3A_150 : vector<16xf32>
      %select_n3A_159 = arith.select %gt3A_158, %get3A_157, %get3A_150 : vector<16xi1>, vector<16xf32>
      %jit3A_160 = arith.constant 41 : i32
      %broadcast_in_dim3A_161 = vector.broadcast %jit3A_160 : i32 to vector<16xi32>
      %select_n3A_162 = arith.select %gt3A_158, %broadcast_in_dim3A_161, %broadcast_in_dim3A_152 : vector<16xi1>, vector<16xi32>
      %get3A_163 = arith.constant 10 : i32
      %get3A_164 = arith.index_cast %get3A_163 : i32 to index
      %get3A_165 = arith.index_cast %mul3A_67 : i32 to index
      %get3A_166 = tpu.vector_load %arg5[%get3A_164, %get3A_165] {strides = array<i32>} : memref<32x256xf32, #tpu.memory_space<vmem>>, vector<1x16xf32>,
      %get3A_167 = vector.shape_cast %get3A_166 : vector<1x16xf32> to vector<16xf32>
      %gt3A_168 = arith.cmpf ogt, %get3A_167, %select_n3A_159 : vector<16xf32>
      %select_n3A_169 = arith.select %gt3A_168, %get3A_167, %select_n3A_159 : vector<16xi1>, vector<16xf32>
      %jit3A_170 = arith.constant 42 : i32
      %broadcast_in_dim3A_171 = vector.broadcast %jit3A_170 : i32 to vector<16xi32>
      %select_n3A_172 = arith.select %gt3A_168, %broadcast_in_dim3A_171, %select_n3A_162 : vector<16xi1>, vector<16xi32>
      %get3A_173 = arith.constant 11 : i32
      %get3A_174 = arith.index_cast %get3A_173 : i32 to index
      %get3A_175 = arith.index_cast %mul3A_67 : i32 to index
      %get3A_176 = tpu.vector_load %arg5[%get3A_174, %get3A_175] {strides = array<i32>} : memref<32x256xf32, #tpu.memory_space<vmem>>, vector<1x16xf32>,
      %get3A_177 = vector.shape_cast %get3A_176 : vector<1x16xf32> to vector<16xf32>
      %gt3A_178 = arith.cmpf ogt, %get3A_177, %select_n3A_169 : vector<16xf32>
      %select_n3A_179 = arith.select %gt3A_178, %get3A_177, %select_n3A_169 : vector<16xi1>, vector<16xf32>
      %jit3A_180 = arith.constant 43 : i32
      %broadcast_in_dim3A_181 = vector.broadcast %jit3A_180 : i32 to vector<16xi32>
      %select_n3A_182 = arith.select %gt3A_178, %broadcast_in_dim3A_181, %select_n3A_172 : vector<16xi1>, vector<16xi32>
      %get3A_183 = arith.constant 12 : i32
      %get3A_184 = arith.index_cast %get3A_183 : i32 to index
      %get3A_185 = arith.index_cast %mul3A_67 : i32 to index
      %get3A_186 = tpu.vector_load %arg5[%get3A_184, %get3A_185] {strides = array<i32>} : memref<32x256xf32, #tpu.memory_space<vmem>>, vector<1x16xf32>,
      %get3A_187 = vector.shape_cast %get3A_186 : vector<1x16xf32> to vector<16xf32>
      %gt3A_188 = arith.cmpf ogt, %get3A_187, %select_n3A_179 : vector<16xf32>
      %select_n3A_189 = arith.select %gt3A_188, %get3A_187, %select_n3A_179 : vector<16xi1>, vector<16xf32>
      %jit3A_190 = arith.constant 44 : i32
      %broadcast_in_dim3A_191 = vector.broadcast %jit3A_190 : i32 to vector<16xi32>
      %select_n3A_192 = arith.select %gt3A_188, %broadcast_in_dim3A_191, %select_n3A_182 : vector<16xi1>, vector<16xi32>
      %get3A_193 = arith.constant 13 : i32
      %get3A_194 = arith.index_cast %get3A_193 : i32 to index
      %get3A_195 = arith.index_cast %mul3A_67 : i32 to index
      %get3A_196 = tpu.vector_load %arg5[%get3A_194, %get3A_195] {strides = array<i32>} : memref<32x256xf32, #tpu.memory_space<vmem>>, vector<1x16xf32>,
      %get3A_197 = vector.shape_cast %get3A_196 : vector<1x16xf32> to vector<16xf32>
      %gt3A_198 = arith.cmpf ogt, %get3A_197, %select_n3A_189 : vector<16xf32>
      %select_n3A_199 = arith.select %gt3A_198, %get3A_197, %select_n3A_189 : vector<16xi1>, vector<16xf32>
      %jit3A_200 = arith.constant 45 : i32
      %broadcast_in_dim3A_201 = vector.broadcast %jit3A_200 : i32 to vector<16xi32>
      %select_n3A_202 = arith.select %gt3A_198, %broadcast_in_dim3A_201, %select_n3A_192 : vector<16xi1>, vector<16xi32>
      %get3A_203 = arith.constant 14 : i32
      %get3A_204 = arith.index_cast %get3A_203 : i32 to index
      %get3A_205 = arith.index_cast %mul3A_67 : i32 to index
      %get3A_206 = tpu.vector_load %arg5[%get3A_204, %get3A_205] {strides = array<i32>} : memref<32x256xf32, #tpu.memory_space<vmem>>, vector<1x16xf32>,
      %get3A_207 = vector.shape_cast %get3A_206 : vector<1x16xf32> to vector<16xf32>
      %gt3A_208 = arith.cmpf ogt, %get3A_207, %select_n3A_199 : vector<16xf32>
      %select_n3A_209 = arith.select %gt3A_208, %get3A_207, %select_n3A_199 : vector<16xi1>, vector<16xf32>
      %jit3A_210 = arith.constant 46 : i32
      %broadcast_in_dim3A_211 = vector.broadcast %jit3A_210 : i32 to vector<16xi32>
      %select_n3A_212 = arith.select %gt3A_208, %broadcast_in_dim3A_211, %select_n3A_202 : vector<16xi1>, vector<16xi32>
      %get3A_213 = arith.constant 15 : i32
      %get3A_214 = arith.index_cast %get3A_213 : i32 to index
      %get3A_215 = arith.index_cast %mul3A_67 : i32 to index
      %get3A_216 = tpu.vector_load %arg5[%get3A_214, %get3A_215] {strides = array<i32>} : memref<32x256xf32, #tpu.memory_space<vmem>>, vector<1x16xf32>,
      %get3A_217 = vector.shape_cast %get3A_216 : vector<1x16xf32> to vector<16xf32>
      %gt3A_218 = arith.cmpf ogt, %get3A_217, %select_n3A_209 : vector<16xf32>
      %select_n3A_219 = arith.select %gt3A_218, %get3A_217, %select_n3A_209 : vector<16xi1>, vector<16xf32>
      %jit3A_220 = arith.constant 47 : i32
      %broadcast_in_dim3A_221 = vector.broadcast %jit3A_220 : i32 to vector<16xi32>
      %select_n3A_222 = arith.select %gt3A_218, %broadcast_in_dim3A_221, %select_n3A_212 : vector<16xi1>, vector<16xi32>
      %get3A_223 = arith.constant 16 : i32
      %get3A_224 = arith.index_cast %get3A_223 : i32 to index
      %get3A_225 = arith.index_cast %mul3A_67 : i32 to index
      %get3A_226 = tpu.vector_load %arg5[%get3A_224, %get3A_225] {strides = array<i32>} : memref<32x256xf32, #tpu.memory_space<vmem>>, vector<1x16xf32>,
      %get3A_227 = vector.shape_cast %get3A_226 : vector<1x16xf32> to vector<16xf32>
      %broadcast_in_dim3A_228 = arith.constant 48 : i32
      %broadcast_in_dim3A_229 = vector.broadcast %broadcast_in_dim3A_228 : i32 to vector<16xi32>
      %get3A_230 = arith.constant 17 : i32
      %get3A_231 = arith.index_cast %get3A_230 : i32 to index
      %get3A_232 = arith.index_cast %mul3A_67 : i32 to index
      %get3A_233 = tpu.vector_load %arg5[%get3A_231, %get3A_232] {strides = array<i32>} : memref<32x256xf32, #tpu.memory_space<vmem>>, vector<1x16xf32>,
      %get3A_234 = vector.shape_cast %get3A_233 : vector<1x16xf32> to vector<16xf32>
      %gt3A_235 = arith.cmpf ogt, %get3A_234, %get3A_227 : vector<16xf32>
      %select_n3A_236 = arith.select %gt3A_235, %get3A_234, %get3A_227 : vector<16xi1>, vector<16xf32>
      %jit3A_237 = arith.constant 49 : i32
      %broadcast_in_dim3A_238 = vector.broadcast %jit3A_237 : i32 to vector<16xi32>
      %select_n3A_239 = arith.select %gt3A_235, %broadcast_in_dim3A_238, %broadcast_in_dim3A_229 : vector<16xi1>, vector<16xi32>
      %get3A_240 = arith.constant 18 : i32
      %get3A_241 = arith.index_cast %get3A_240 : i32 to index
      %get3A_242 = arith.index_cast %mul3A_67 : i32 to index
      %get3A_243 = tpu.vector_load %arg5[%get3A_241, %get3A_242] {strides = array<i32>} : memref<32x256xf32, #tpu.memory_space<vmem>>, vector<1x16xf32>,
      %get3A_244 = vector.shape_cast %get3A_243 : vector<1x16xf32> to vector<16xf32>
      %gt3A_245 = arith.cmpf ogt, %get3A_244, %select_n3A_236 : vector<16xf32>
      %select_n3A_246 = arith.select %gt3A_245, %get3A_244, %select_n3A_236 : vector<16xi1>, vector<16xf32>
      %jit3A_247 = arith.constant 50 : i32
      %broadcast_in_dim3A_248 = vector.broadcast %jit3A_247 : i32 to vector<16xi32>
      %select_n3A_249 = arith.select %gt3A_245, %broadcast_in_dim3A_248, %select_n3A_239 : vector<16xi1>, vector<16xi32>
      %get3A_250 = arith.constant 19 : i32
      %get3A_251 = arith.index_cast %get3A_250 : i32 to index
      %get3A_252 = arith.index_cast %mul3A_67 : i32 to index
      %get3A_253 = tpu.vector_load %arg5[%get3A_251, %get3A_252] {strides = array<i32>} : memref<32x256xf32, #tpu.memory_space<vmem>>, vector<1x16xf32>,
      %get3A_254 = vector.shape_cast %get3A_253 : vector<1x16xf32> to vector<16xf32>
      %gt3A_255 = arith.cmpf ogt, %get3A_254, %select_n3A_246 : vector<16xf32>
      %select_n3A_256 = arith.select %gt3A_255, %get3A_254, %select_n3A_246 : vector<16xi1>, vector<16xf32>
      %jit3A_257 = arith.constant 51 : i32
      %broadcast_in_dim3A_258 = vector.broadcast %jit3A_257 : i32 to vector<16xi32>
      %select_n3A_259 = arith.select %gt3A_255, %broadcast_in_dim3A_258, %select_n3A_249 : vector<16xi1>, vector<16xi32>
      %get3A_260 = arith.constant 20 : i32
      %get3A_261 = arith.index_cast %get3A_260 : i32 to index
      %get3A_262 = arith.index_cast %mul3A_67 : i32 to index
      %get3A_263 = tpu.vector_load %arg5[%get3A_261, %get3A_262] {strides = array<i32>} : memref<32x256xf32, #tpu.memory_space<vmem>>, vector<1x16xf32>,
      %get3A_264 = vector.shape_cast %get3A_263 : vector<1x16xf32> to vector<16xf32>
      %gt3A_265 = arith.cmpf ogt, %get3A_264, %select_n3A_256 : vector<16xf32>
      %select_n3A_266 = arith.select %gt3A_265, %get3A_264, %select_n3A_256 : vector<16xi1>, vector<16xf32>
      %jit3A_267 = arith.constant 52 : i32
      %broadcast_in_dim3A_268 = vector.broadcast %jit3A_267 : i32 to vector<16xi32>
      %select_n3A_269 = arith.select %gt3A_265, %broadcast_in_dim3A_268, %select_n3A_259 : vector<16xi1>, vector<16xi32>
      %get3A_270 = arith.constant 21 : i32
      %get3A_271 = arith.index_cast %get3A_270 : i32 to index
      %get3A_272 = arith.index_cast %mul3A_67 : i32 to index
      %get3A_273 = tpu.vector_load %arg5[%get3A_271, %get3A_272] {strides = array<i32>} : memref<32x256xf32, #tpu.memory_space<vmem>>, vector<1x16xf32>,
      %get3A_274 = vector.shape_cast %get3A_273 : vector<1x16xf32> to vector<16xf32>
      %gt3A_275 = arith.cmpf ogt, %get3A_274, %select_n3A_266 : vector<16xf32>
      %select_n3A_276 = arith.select %gt3A_275, %get3A_274, %select_n3A_266 : vector<16xi1>, vector<16xf32>
      %jit3A_277 = arith.constant 53 : i32
      %broadcast_in_dim3A_278 = vector.broadcast %jit3A_277 : i32 to vector<16xi32>
      %select_n3A_279 = arith.select %gt3A_275, %broadcast_in_dim3A_278, %select_n3A_269 : vector<16xi1>, vector<16xi32>
      %get3A_280 = arith.constant 22 : i32
      %get3A_281 = arith.index_cast %get3A_280 : i32 to index
      %get3A_282 = arith.index_cast %mul3A_67 : i32 to index
      %get3A_283 = tpu.vector_load %arg5[%get3A_281, %get3A_282] {strides = array<i32>} : memref<32x256xf32, #tpu.memory_space<vmem>>, vector<1x16xf32>,
      %get3A_284 = vector.shape_cast %get3A_283 : vector<1x16xf32> to vector<16xf32>
      %gt3A_285 = arith.cmpf ogt, %get3A_284, %select_n3A_276 : vector<16xf32>
      %select_n3A_286 = arith.select %gt3A_285, %get3A_284, %select_n3A_276 : vector<16xi1>, vector<16xf32>
      %jit3A_287 = arith.constant 54 : i32
      %broadcast_in_dim3A_288 = vector.broadcast %jit3A_287 : i32 to vector<16xi32>
      %select_n3A_289 = arith.select %gt3A_285, %broadcast_in_dim3A_288, %select_n3A_279 : vector<16xi1>, vector<16xi32>
      %get3A_290 = arith.constant 23 : i32
      %get3A_291 = arith.index_cast %get3A_290 : i32 to index
      %get3A_292 = arith.index_cast %mul3A_67 : i32 to index
      %get3A_293 = tpu.vector_load %arg5[%get3A_291, %get3A_292] {strides = array<i32>} : memref<32x256xf32, #tpu.memory_space<vmem>>, vector<1x16xf32>,
      %get3A_294 = vector.shape_cast %get3A_293 : vector<1x16xf32> to vector<16xf32>
      %gt3A_295 = arith.cmpf ogt, %get3A_294, %select_n3A_286 : vector<16xf32>
      %select_n3A_296 = arith.select %gt3A_295, %get3A_294, %select_n3A_286 : vector<16xi1>, vector<16xf32>
      %jit3A_297 = arith.constant 55 : i32
      %broadcast_in_dim3A_298 = vector.broadcast %jit3A_297 : i32 to vector<16xi32>
      %select_n3A_299 = arith.select %gt3A_295, %broadcast_in_dim3A_298, %select_n3A_289 : vector<16xi1>, vector<16xi32>
      %get3A_300 = arith.constant 24 : i32
      %get3A_301 = arith.index_cast %get3A_300 : i32 to index
      %get3A_302 = arith.index_cast %mul3A_67 : i32 to index
      %get3A_303 = tpu.vector_load %arg5[%get3A_301, %get3A_302] {strides = array<i32>} : memref<32x256xf32, #tpu.memory_space<vmem>>, vector<1x16xf32>,
      %get3A_304 = vector.shape_cast %get3A_303 : vector<1x16xf32> to vector<16xf32>
      %broadcast_in_dim3A_305 = arith.constant 56 : i32
      %broadcast_in_dim3A_306 = vector.broadcast %broadcast_in_dim3A_305 : i32 to vector<16xi32>
      %get3A_307 = arith.constant 25 : i32
      %get3A_308 = arith.index_cast %get3A_307 : i32 to index
      %get3A_309 = arith.index_cast %mul3A_67 : i32 to index
      %get3A_310 = tpu.vector_load %arg5[%get3A_308, %get3A_309] {strides = array<i32>} : memref<32x256xf32, #tpu.memory_space<vmem>>, vector<1x16xf32>,
      %get3A_311 = vector.shape_cast %get3A_310 : vector<1x16xf32> to vector<16xf32>
      %gt3A_312 = arith.cmpf ogt, %get3A_311, %get3A_304 : vector<16xf32>
      %select_n3A_313 = arith.select %gt3A_312, %get3A_311, %get3A_304 : vector<16xi1>, vector<16xf32>
      %jit3A_314 = arith.constant 57 : i32
      %broadcast_in_dim3A_315 = vector.broadcast %jit3A_314 : i32 to vector<16xi32>
      %select_n3A_316 = arith.select %gt3A_312, %broadcast_in_dim3A_315, %broadcast_in_dim3A_306 : vector<16xi1>, vector<16xi32>
      %get3A_317 = arith.constant 26 : i32
      %get3A_318 = arith.index_cast %get3A_317 : i32 to index
      %get3A_319 = arith.index_cast %mul3A_67 : i32 to index
      %get3A_320 = tpu.vector_load %arg5[%get3A_318, %get3A_319] {strides = array<i32>} : memref<32x256xf32, #tpu.memory_space<vmem>>, vector<1x16xf32>,
      %get3A_321 = vector.shape_cast %get3A_320 : vector<1x16xf32> to vector<16xf32>
      %gt3A_322 = arith.cmpf ogt, %get3A_321, %select_n3A_313 : vector<16xf32>
      %select_n3A_323 = arith.select %gt3A_322, %get3A_321, %select_n3A_313 : vector<16xi1>, vector<16xf32>
      %jit3A_324 = arith.constant 58 : i32
      %broadcast_in_dim3A_325 = vector.broadcast %jit3A_324 : i32 to vector<16xi32>
      %select_n3A_326 = arith.select %gt3A_322, %broadcast_in_dim3A_325, %select_n3A_316 : vector<16xi1>, vector<16xi32>
      %get3A_327 = arith.constant 27 : i32
      %get3A_328 = arith.index_cast %get3A_327 : i32 to index
      %get3A_329 = arith.index_cast %mul3A_67 : i32 to index
      %get3A_330 = tpu.vector_load %arg5[%get3A_328, %get3A_329] {strides = array<i32>} : memref<32x256xf32, #tpu.memory_space<vmem>>, vector<1x16xf32>,
      %get3A_331 = vector.shape_cast %get3A_330 : vector<1x16xf32> to vector<16xf32>
      %gt3A_332 = arith.cmpf ogt, %get3A_331, %select_n3A_323 : vector<16xf32>
      %select_n3A_333 = arith.select %gt3A_332, %get3A_331, %select_n3A_323 : vector<16xi1>, vector<16xf32>
      %jit3A_334 = arith.constant 59 : i32
      %broadcast_in_dim3A_335 = vector.broadcast %jit3A_334 : i32 to vector<16xi32>
      %select_n3A_336 = arith.select %gt3A_332, %broadcast_in_dim3A_335, %select_n3A_326 : vector<16xi1>, vector<16xi32>
      %get3A_337 = arith.constant 28 : i32
      %get3A_338 = arith.index_cast %get3A_337 : i32 to index
      %get3A_339 = arith.index_cast %mul3A_67 : i32 to index
      %get3A_340 = tpu.vector_load %arg5[%get3A_338, %get3A_339] {strides = array<i32>} : memref<32x256xf32, #tpu.memory_space<vmem>>, vector<1x16xf32>,
      %get3A_341 = vector.shape_cast %get3A_340 : vector<1x16xf32> to vector<16xf32>
      %gt3A_342 = arith.cmpf ogt, %get3A_341, %select_n3A_333 : vector<16xf32>
      %select_n3A_343 = arith.select %gt3A_342, %get3A_341, %select_n3A_333 : vector<16xi1>, vector<16xf32>
      %jit3A_344 = arith.constant 60 : i32
      %broadcast_in_dim3A_345 = vector.broadcast %jit3A_344 : i32 to vector<16xi32>
      %select_n3A_346 = arith.select %gt3A_342, %broadcast_in_dim3A_345, %select_n3A_336 : vector<16xi1>, vector<16xi32>
      %get3A_347 = arith.constant 29 : i32
      %get3A_348 = arith.index_cast %get3A_347 : i32 to index
      %get3A_349 = arith.index_cast %mul3A_67 : i32 to index
      %get3A_350 = tpu.vector_load %arg5[%get3A_348, %get3A_349] {strides = array<i32>} : memref<32x256xf32, #tpu.memory_space<vmem>>, vector<1x16xf32>,
      %get3A_351 = vector.shape_cast %get3A_350 : vector<1x16xf32> to vector<16xf32>
      %gt3A_352 = arith.cmpf ogt, %get3A_351, %select_n3A_343 : vector<16xf32>
      %select_n3A_353 = arith.select %gt3A_352, %get3A_351, %select_n3A_343 : vector<16xi1>, vector<16xf32>
      %jit3A_354 = arith.constant 61 : i32
      %broadcast_in_dim3A_355 = vector.broadcast %jit3A_354 : i32 to vector<16xi32>
      %select_n3A_356 = arith.select %gt3A_352, %broadcast_in_dim3A_355, %select_n3A_346 : vector<16xi1>, vector<16xi32>
      %get3A_357 = arith.constant 30 : i32
      %get3A_358 = arith.index_cast %get3A_357 : i32 to index
      %get3A_359 = arith.index_cast %mul3A_67 : i32 to index
      %get3A_360 = tpu.vector_load %arg5[%get3A_358, %get3A_359] {strides = array<i32>} : memref<32x256xf32, #tpu.memory_space<vmem>>, vector<1x16xf32>,
      %get3A_361 = vector.shape_cast %get3A_360 : vector<1x16xf32> to vector<16xf32>
      %gt3A_362 = arith.cmpf ogt, %get3A_361, %select_n3A_353 : vector<16xf32>
      %select_n3A_363 = arith.select %gt3A_362, %get3A_361, %select_n3A_353 : vector<16xi1>, vector<16xf32>
      %jit3A_364 = arith.constant 62 : i32
      %broadcast_in_dim3A_365 = vector.broadcast %jit3A_364 : i32 to vector<16xi32>
      %select_n3A_366 = arith.select %gt3A_362, %broadcast_in_dim3A_365, %select_n3A_356 : vector<16xi1>, vector<16xi32>
      %get3A_367 = arith.constant 31 : i32
      %get3A_368 = arith.index_cast %get3A_367 : i32 to index
      %get3A_369 = arith.index_cast %mul3A_67 : i32 to index
      %get3A_370 = tpu.vector_load %arg5[%get3A_368, %get3A_369] {strides = array<i32>} : memref<32x256xf32, #tpu.memory_space<vmem>>, vector<1x16xf32>,
      %get3A_371 = vector.shape_cast %get3A_370 : vector<1x16xf32> to vector<16xf32>
      %gt3A_372 = arith.cmpf ogt, %get3A_371, %select_n3A_363 : vector<16xf32>
      %select_n3A_373 = arith.select %gt3A_372, %get3A_371, %select_n3A_363 : vector<16xi1>, vector<16xf32>
      %jit3A_374 = arith.constant 63 : i32
      %broadcast_in_dim3A_375 = vector.broadcast %jit3A_374 : i32 to vector<16xi32>
      %select_n3A_376 = arith.select %gt3A_372, %broadcast_in_dim3A_375, %select_n3A_366 : vector<16xi1>, vector<16xi32>
      %gt3A_377 = arith.cmpf ogt, %select_n3A_219, %select_n3A_142 : vector<16xf32>
      %select_n3A_378 = arith.select %gt3A_377, %select_n3A_219, %select_n3A_142 : vector<16xi1>, vector<16xf32>
      %select_n3A_379 = arith.select %gt3A_377, %select_n3A_222, %select_n3A_145 : vector<16xi1>, vector<16xi32>
      %gt3A_380 = arith.cmpf ogt, %select_n3A_373, %select_n3A_296 : vector<16xf32>
      %select_n3A_381 = arith.select %gt3A_380, %select_n3A_373, %select_n3A_296 : vector<16xi1>, vector<16xf32>
      %select_n3A_382 = arith.select %gt3A_380, %select_n3A_376, %select_n3A_299 : vector<16xi1>, vector<16xi32>
      %gt3A_383 = arith.cmpf ogt, %select_n3A_381, %select_n3A_378 : vector<16xf32>
      %select_n3A_384 = arith.select %gt3A_383, %select_n3A_381, %select_n3A_378 : vector<16xi1>, vector<16xf32>
      %select_n3A_385 = arith.select %gt3A_383, %select_n3A_382, %select_n3A_379 : vector<16xi1>, vector<16xi32>
      %gt3A_386 = arith.cmpf ogt, %select_n3A_384, %get3A_69 : vector<16xf32>
      %select_n3A_387 = arith.select %gt3A_386, %select_n3A_384, %get3A_69 : vector<16xi1>, vector<16xf32>
      %select_n3A_388 = arith.select %gt3A_386, %select_n3A_385, %get3A_72 : vector<16xi1>, vector<16xi32>
      %swap3A = arith.index_cast %mul3A_67 : i32 to index
      %swap3A_389 = tpu.vector_load %arg6[%swap3A] {strides = array<i32>} : memref<256xf32, #tpu.memory_space<vmem>>, vector<16xf32>,
      %swap3A_390 = vector.shape_cast %swap3A_389 : vector<16xf32> to vector<16xf32>
      %swap3A_391 = vector.shape_cast %select_n3A_387 : vector<16xf32> to vector<16xf32>
      tpu.vector_store %arg6[%swap3A], %swap3A_391 {strides = array<i32>} : memref<256xf32, #tpu.memory_space<vmem>>, vector<16xf32>,
      %swap3A_392 = arith.index_cast %mul3A_67 : i32 to index
      %swap3A_393 = tpu.vector_load %arg7[%swap3A_392] {strides = array<i32>} : memref<256xi32, #tpu.memory_space<vmem>>, vector<16xi32>,
      %swap3A_394 = vector.shape_cast %swap3A_393 : vector<16xi32> to vector<16xi32>
      %swap3A_395 = vector.shape_cast %select_n3A_388 : vector<16xi32> to vector<16xi32>
      tpu.vector_store %arg7[%swap3A_392], %swap3A_395 {strides = array<i32>} : memref<256xi32, #tpu.memory_space<vmem>>, vector<16xi32>,
      %scan3A_396 = arith.constant 0 : i32
      scf.yield %scan3A_396 : i32
    }
    %scan3A_33 = arith.constant 16 : i32
    %dma_start3A_34 = arith.constant 96 : i32
    %dma_start3A_35 = tpu.memref_slice %arg2[%dma_start3A_34, %mul3A_2] : memref<128x32768xf32, #tpu.memory_space<hbm>> -> memref<32x256xf32, #tpu.memory_space<hbm>>
    %dma_start3A_36 = arith.constant 96 : i32
    %dma_start3A_37 = tpu.memref_slice %arg2[%dma_start3A_36, %mul3A_2] : memref<128x32768xf32, #tpu.memory_space<hbm>> -> memref<32x256xf32, #tpu.memory_space<hbm>>
    tpu.enqueue_dma source(%dma_start3A_37 : memref<32x256xf32, #tpu.memory_space<hbm>>) target(%arg5 : memref<32x256xf32, #tpu.memory_space<vmem>>) target_semaphore(%arg9 : memref<!tpu.dma_semaphore, #tpu.memory_space<semaphore_mem>>)
    %dma_wait3A_38 = arith.constant 64 : i32
    %dma_wait3A_39 = tpu.memref_slice %arg2[%dma_wait3A_38, %mul3A_2] : memref<128x32768xf32, #tpu.memory_space<hbm>> -> memref<32x256xf32, #tpu.memory_space<hbm>>
    %dma_wait3A_40 = arith.constant 64 : i32
    %dma_wait3A_41 = tpu.memref_slice %arg2[%dma_wait3A_40, %mul3A_2] : memref<128x32768xf32, #tpu.memory_space<hbm>> -> memref<32x256xf32, #tpu.memory_space<hbm>>
    tpu.wait_dma2 semaphore(%arg8 : memref<!tpu.dma_semaphore, #tpu.memory_space<semaphore_mem>>) src(%dma_wait3A_41 : memref<32x256xf32, #tpu.memory_space<hbm>>) dst(%arg4 : memref<32x256xf32, #tpu.memory_space<vmem>>)
    %scan3A_42 = arith.constant 0 : i32
    %scan3A_43 = arith.constant 0 : i32
    %scan3A_44 = arith.constant 16 : i32
    %scan3A_45 = arith.addi %scan3A_43, %scan3A_44 : i32
    %scan3A_46 = arith.constant 1 : i32
    %scan3A_47 = scf.for %scan3A_64 = %scan3A_43 to %scan3A_45 step %scan3A_46 iter_args(%scan3A_65 = %scan3A_42) -> (i32)  : i32 {
      %mul3A_66 = arith.constant 16 : i32
      %mul3A_67 = arith.muli %scan3A_64, %mul3A_66 : i32
      %get3A = arith.index_cast %mul3A_67 : i32 to index
      %get3A_68 = tpu.vector_load %arg6[%get3A] {strides = array<i32>} : memref<256xf32, #tpu.memory_space<vmem>>, vector<16xf32>,
      %get3A_69 = vector.shape_cast %get3A_68 : vector<16xf32> to vector<16xf32>
      %get3A_70 = arith.index_cast %mul3A_67 : i32 to index
      %get3A_71 = tpu.vector_load %arg7[%get3A_70] {strides = array<i32>} : memref<256xi32, #tpu.memory_space<vmem>>, vector<16xi32>,
      %get3A_72 = vector.shape_cast %get3A_71 : vector<16xi32> to vector<16xi32>
      %get3A_73 = arith.constant 0 : i32
      %get3A_74 = arith.index_cast %get3A_73 : i32 to index
      %get3A_75 = arith.index_cast %mul3A_67 : i32 to index
      %get3A_76 = tpu.vector_load %arg4[%get3A_74, %get3A_75] {strides = array<i32>} : memref<32x256xf32, #tpu.memory_space<vmem>>, vector<1x16xf32>,
      %get3A_77 = vector.shape_cast %get3A_76 : vector<1x16xf32> to vector<16xf32>
      %broadcast_in_dim3A = arith.constant 64 : i32
      %broadcast_in_dim3A_78 = vector.broadcast %broadcast_in_dim3A : i32 to vector<16xi32>
      %get3A_79 = arith.constant 1 : i32
      %get3A_80 = arith.index_cast %get3A_79 : i32 to index
      %get3A_81 = arith.index_cast %mul3A_67 : i32 to index
      %get3A_82 = tpu.vector_load %arg4[%get3A_80, %get3A_81] {strides = array<i32>} : memref<32x256xf32, #tpu.memory_space<vmem>>, vector<1x16xf32>,
      %get3A_83 = vector.shape_cast %get3A_82 : vector<1x16xf32> to vector<16xf32>
      %gt3A = arith.cmpf ogt, %get3A_83, %get3A_77 : vector<16xf32>
      %select_n3A = arith.select %gt3A, %get3A_83, %get3A_77 : vector<16xi1>, vector<16xf32>
      %jit3A = arith.constant 65 : i32
      %broadcast_in_dim3A_84 = vector.broadcast %jit3A : i32 to vector<16xi32>
      %select_n3A_85 = arith.select %gt3A, %broadcast_in_dim3A_84, %broadcast_in_dim3A_78 : vector<16xi1>, vector<16xi32>
      %get3A_86 = arith.constant 2 : i32
      %get3A_87 = arith.index_cast %get3A_86 : i32 to index
      %get3A_88 = arith.index_cast %mul3A_67 : i32 to index
      %get3A_89 = tpu.vector_load %arg4[%get3A_87, %get3A_88] {strides = array<i32>} : memref<32x256xf32, #tpu.memory_space<vmem>>, vector<1x16xf32>,
      %get3A_90 = vector.shape_cast %get3A_89 : vector<1x16xf32> to vector<16xf32>
      %gt3A_91 = arith.cmpf ogt, %get3A_90, %select_n3A : vector<16xf32>
      %select_n3A_92 = arith.select %gt3A_91, %get3A_90, %select_n3A : vector<16xi1>, vector<16xf32>
      %jit3A_93 = arith.constant 66 : i32
      %broadcast_in_dim3A_94 = vector.broadcast %jit3A_93 : i32 to vector<16xi32>
      %select_n3A_95 = arith.select %gt3A_91, %broadcast_in_dim3A_94, %select_n3A_85 : vector<16xi1>, vector<16xi32>
      %get3A_96 = arith.constant 3 : i32
      %get3A_97 = arith.index_cast %get3A_96 : i32 to index
      %get3A_98 = arith.index_cast %mul3A_67 : i32 to index
      %get3A_99 = tpu.vector_load %arg4[%get3A_97, %get3A_98] {strides = array<i32>} : memref<32x256xf32, #tpu.memory_space<vmem>>, vector<1x16xf32>,
      %get3A_100 = vector.shape_cast %get3A_99 : vector<1x16xf32> to vector<16xf32>
      %gt3A_101 = arith.cmpf ogt, %get3A_100, %select_n3A_92 : vector<16xf32>
      %select_n3A_102 = arith.select %gt3A_101, %get3A_100, %select_n3A_92 : vector<16xi1>, vector<16xf32>
      %jit3A_103 = arith.constant 67 : i32
      %broadcast_in_dim3A_104 = vector.broadcast %jit3A_103 : i32 to vector<16xi32>
      %select_n3A_105 = arith.select %gt3A_101, %broadcast_in_dim3A_104, %select_n3A_95 : vector<16xi1>, vector<16xi32>
      %get3A_106 = arith.constant 4 : i32
      %get3A_107 = arith.index_cast %get3A_106 : i32 to index
      %get3A_108 = arith.index_cast %mul3A_67 : i32 to index
      %get3A_109 = tpu.vector_load %arg4[%get3A_107, %get3A_108] {strides = array<i32>} : memref<32x256xf32, #tpu.memory_space<vmem>>, vector<1x16xf32>,
      %get3A_110 = vector.shape_cast %get3A_109 : vector<1x16xf32> to vector<16xf32>
      %gt3A_111 = arith.cmpf ogt, %get3A_110, %select_n3A_102 : vector<16xf32>
      %select_n3A_112 = arith.select %gt3A_111, %get3A_110, %select_n3A_102 : vector<16xi1>, vector<16xf32>
      %jit3A_113 = arith.constant 68 : i32
      %broadcast_in_dim3A_114 = vector.broadcast %jit3A_113 : i32 to vector<16xi32>
      %select_n3A_115 = arith.select %gt3A_111, %broadcast_in_dim3A_114, %select_n3A_105 : vector<16xi1>, vector<16xi32>
      %get3A_116 = arith.constant 5 : i32
      %get3A_117 = arith.index_cast %get3A_116 : i32 to index
      %get3A_118 = arith.index_cast %mul3A_67 : i32 to index
      %get3A_119 = tpu.vector_load %arg4[%get3A_117, %get3A_118] {strides = array<i32>} : memref<32x256xf32, #tpu.memory_space<vmem>>, vector<1x16xf32>,
      %get3A_120 = vector.shape_cast %get3A_119 : vector<1x16xf32> to vector<16xf32>
      %gt3A_121 = arith.cmpf ogt, %get3A_120, %select_n3A_112 : vector<16xf32>
      %select_n3A_122 = arith.select %gt3A_121, %get3A_120, %select_n3A_112 : vector<16xi1>, vector<16xf32>
      %jit3A_123 = arith.constant 69 : i32
      %broadcast_in_dim3A_124 = vector.broadcast %jit3A_123 : i32 to vector<16xi32>
      %select_n3A_125 = arith.select %gt3A_121, %broadcast_in_dim3A_124, %select_n3A_115 : vector<16xi1>, vector<16xi32>
      %get3A_126 = arith.constant 6 : i32
      %get3A_127 = arith.index_cast %get3A_126 : i32 to index
      %get3A_128 = arith.index_cast %mul3A_67 : i32 to index
      %get3A_129 = tpu.vector_load %arg4[%get3A_127, %get3A_128] {strides = array<i32>} : memref<32x256xf32, #tpu.memory_space<vmem>>, vector<1x16xf32>,
      %get3A_130 = vector.shape_cast %get3A_129 : vector<1x16xf32> to vector<16xf32>
      %gt3A_131 = arith.cmpf ogt, %get3A_130, %select_n3A_122 : vector<16xf32>
      %select_n3A_132 = arith.select %gt3A_131, %get3A_130, %select_n3A_122 : vector<16xi1>, vector<16xf32>
      %jit3A_133 = arith.constant 70 : i32
      %broadcast_in_dim3A_134 = vector.broadcast %jit3A_133 : i32 to vector<16xi32>
      %select_n3A_135 = arith.select %gt3A_131, %broadcast_in_dim3A_134, %select_n3A_125 : vector<16xi1>, vector<16xi32>
      %get3A_136 = arith.constant 7 : i32
      %get3A_137 = arith.index_cast %get3A_136 : i32 to index
      %get3A_138 = arith.index_cast %mul3A_67 : i32 to index
      %get3A_139 = tpu.vector_load %arg4[%get3A_137, %get3A_138] {strides = array<i32>} : memref<32x256xf32, #tpu.memory_space<vmem>>, vector<1x16xf32>,
      %get3A_140 = vector.shape_cast %get3A_139 : vector<1x16xf32> to vector<16xf32>
      %gt3A_141 = arith.cmpf ogt, %get3A_140, %select_n3A_132 : vector<16xf32>
      %select_n3A_142 = arith.select %gt3A_141, %get3A_140, %select_n3A_132 : vector<16xi1>, vector<16xf32>
      %jit3A_143 = arith.constant 71 : i32
      %broadcast_in_dim3A_144 = vector.broadcast %jit3A_143 : i32 to vector<16xi32>
      %select_n3A_145 = arith.select %gt3A_141, %broadcast_in_dim3A_144, %select_n3A_135 : vector<16xi1>, vector<16xi32>
      %get3A_146 = arith.constant 8 : i32
      %get3A_147 = arith.index_cast %get3A_146 : i32 to index
      %get3A_148 = arith.index_cast %mul3A_67 : i32 to index
      %get3A_149 = tpu.vector_load %arg4[%get3A_147, %get3A_148] {strides = array<i32>} : memref<32x256xf32, #tpu.memory_space<vmem>>, vector<1x16xf32>,
      %get3A_150 = vector.shape_cast %get3A_149 : vector<1x16xf32> to vector<16xf32>
      %broadcast_in_dim3A_151 = arith.constant 72 : i32
      %broadcast_in_dim3A_152 = vector.broadcast %broadcast_in_dim3A_151 : i32 to vector<16xi32>
      %get3A_153 = arith.constant 9 : i32
      %get3A_154 = arith.index_cast %get3A_153 : i32 to index
      %get3A_155 = arith.index_cast %mul3A_67 : i32 to index
      %get3A_156 = tpu.vector_load %arg4[%get3A_154, %get3A_155] {strides = array<i32>} : memref<32x256xf32, #tpu.memory_space<vmem>>, vector<1x16xf32>,
      %get3A_157 = vector.shape_cast %get3A_156 : vector<1x16xf32> to vector<16xf32>
      %gt3A_158 = arith.cmpf ogt, %get3A_157, %get3A_150 : vector<16xf32>
      %select_n3A_159 = arith.select %gt3A_158, %get3A_157, %get3A_150 : vector<16xi1>, vector<16xf32>
      %jit3A_160 = arith.constant 73 : i32
      %broadcast_in_dim3A_161 = vector.broadcast %jit3A_160 : i32 to vector<16xi32>
      %select_n3A_162 = arith.select %gt3A_158, %broadcast_in_dim3A_161, %broadcast_in_dim3A_152 : vector<16xi1>, vector<16xi32>
      %get3A_163 = arith.constant 10 : i32
      %get3A_164 = arith.index_cast %get3A_163 : i32 to index
      %get3A_165 = arith.index_cast %mul3A_67 : i32 to index
      %get3A_166 = tpu.vector_load %arg4[%get3A_164, %get3A_165] {strides = array<i32>} : memref<32x256xf32, #tpu.memory_space<vmem>>, vector<1x16xf32>,
      %get3A_167 = vector.shape_cast %get3A_166 : vector<1x16xf32> to vector<16xf32>
      %gt3A_168 = arith.cmpf ogt, %get3A_167, %select_n3A_159 : vector<16xf32>
      %select_n3A_169 = arith.select %gt3A_168, %get3A_167, %select_n3A_159 : vector<16xi1>, vector<16xf32>
      %jit3A_170 = arith.constant 74 : i32
      %broadcast_in_dim3A_171 = vector.broadcast %jit3A_170 : i32 to vector<16xi32>
      %select_n3A_172 = arith.select %gt3A_168, %broadcast_in_dim3A_171, %select_n3A_162 : vector<16xi1>, vector<16xi32>
      %get3A_173 = arith.constant 11 : i32
      %get3A_174 = arith.index_cast %get3A_173 : i32 to index
      %get3A_175 = arith.index_cast %mul3A_67 : i32 to index
      %get3A_176 = tpu.vector_load %arg4[%get3A_174, %get3A_175] {strides = array<i32>} : memref<32x256xf32, #tpu.memory_space<vmem>>, vector<1x16xf32>,
      %get3A_177 = vector.shape_cast %get3A_176 : vector<1x16xf32> to vector<16xf32>
      %gt3A_178 = arith.cmpf ogt, %get3A_177, %select_n3A_169 : vector<16xf32>
      %select_n3A_179 = arith.select %gt3A_178, %get3A_177, %select_n3A_169 : vector<16xi1>, vector<16xf32>
      %jit3A_180 = arith.constant 75 : i32
      %broadcast_in_dim3A_181 = vector.broadcast %jit3A_180 : i32 to vector<16xi32>
      %select_n3A_182 = arith.select %gt3A_178, %broadcast_in_dim3A_181, %select_n3A_172 : vector<16xi1>, vector<16xi32>
      %get3A_183 = arith.constant 12 : i32
      %get3A_184 = arith.index_cast %get3A_183 : i32 to index
      %get3A_185 = arith.index_cast %mul3A_67 : i32 to index
      %get3A_186 = tpu.vector_load %arg4[%get3A_184, %get3A_185] {strides = array<i32>} : memref<32x256xf32, #tpu.memory_space<vmem>>, vector<1x16xf32>,
      %get3A_187 = vector.shape_cast %get3A_186 : vector<1x16xf32> to vector<16xf32>
      %gt3A_188 = arith.cmpf ogt, %get3A_187, %select_n3A_179 : vector<16xf32>
      %select_n3A_189 = arith.select %gt3A_188, %get3A_187, %select_n3A_179 : vector<16xi1>, vector<16xf32>
      %jit3A_190 = arith.constant 76 : i32
      %broadcast_in_dim3A_191 = vector.broadcast %jit3A_190 : i32 to vector<16xi32>
      %select_n3A_192 = arith.select %gt3A_188, %broadcast_in_dim3A_191, %select_n3A_182 : vector<16xi1>, vector<16xi32>
      %get3A_193 = arith.constant 13 : i32
      %get3A_194 = arith.index_cast %get3A_193 : i32 to index
      %get3A_195 = arith.index_cast %mul3A_67 : i32 to index
      %get3A_196 = tpu.vector_load %arg4[%get3A_194, %get3A_195] {strides = array<i32>} : memref<32x256xf32, #tpu.memory_space<vmem>>, vector<1x16xf32>,
      %get3A_197 = vector.shape_cast %get3A_196 : vector<1x16xf32> to vector<16xf32>
      %gt3A_198 = arith.cmpf ogt, %get3A_197, %select_n3A_189 : vector<16xf32>
      %select_n3A_199 = arith.select %gt3A_198, %get3A_197, %select_n3A_189 : vector<16xi1>, vector<16xf32>
      %jit3A_200 = arith.constant 77 : i32
      %broadcast_in_dim3A_201 = vector.broadcast %jit3A_200 : i32 to vector<16xi32>
      %select_n3A_202 = arith.select %gt3A_198, %broadcast_in_dim3A_201, %select_n3A_192 : vector<16xi1>, vector<16xi32>
      %get3A_203 = arith.constant 14 : i32
      %get3A_204 = arith.index_cast %get3A_203 : i32 to index
      %get3A_205 = arith.index_cast %mul3A_67 : i32 to index
      %get3A_206 = tpu.vector_load %arg4[%get3A_204, %get3A_205] {strides = array<i32>} : memref<32x256xf32, #tpu.memory_space<vmem>>, vector<1x16xf32>,
      %get3A_207 = vector.shape_cast %get3A_206 : vector<1x16xf32> to vector<16xf32>
      %gt3A_208 = arith.cmpf ogt, %get3A_207, %select_n3A_199 : vector<16xf32>
      %select_n3A_209 = arith.select %gt3A_208, %get3A_207, %select_n3A_199 : vector<16xi1>, vector<16xf32>
      %jit3A_210 = arith.constant 78 : i32
      %broadcast_in_dim3A_211 = vector.broadcast %jit3A_210 : i32 to vector<16xi32>
      %select_n3A_212 = arith.select %gt3A_208, %broadcast_in_dim3A_211, %select_n3A_202 : vector<16xi1>, vector<16xi32>
      %get3A_213 = arith.constant 15 : i32
      %get3A_214 = arith.index_cast %get3A_213 : i32 to index
      %get3A_215 = arith.index_cast %mul3A_67 : i32 to index
      %get3A_216 = tpu.vector_load %arg4[%get3A_214, %get3A_215] {strides = array<i32>} : memref<32x256xf32, #tpu.memory_space<vmem>>, vector<1x16xf32>,
      %get3A_217 = vector.shape_cast %get3A_216 : vector<1x16xf32> to vector<16xf32>
      %gt3A_218 = arith.cmpf ogt, %get3A_217, %select_n3A_209 : vector<16xf32>
      %select_n3A_219 = arith.select %gt3A_218, %get3A_217, %select_n3A_209 : vector<16xi1>, vector<16xf32>
      %jit3A_220 = arith.constant 79 : i32
      %broadcast_in_dim3A_221 = vector.broadcast %jit3A_220 : i32 to vector<16xi32>
      %select_n3A_222 = arith.select %gt3A_218, %broadcast_in_dim3A_221, %select_n3A_212 : vector<16xi1>, vector<16xi32>
      %get3A_223 = arith.constant 16 : i32
      %get3A_224 = arith.index_cast %get3A_223 : i32 to index
      %get3A_225 = arith.index_cast %mul3A_67 : i32 to index
      %get3A_226 = tpu.vector_load %arg4[%get3A_224, %get3A_225] {strides = array<i32>} : memref<32x256xf32, #tpu.memory_space<vmem>>, vector<1x16xf32>,
      %get3A_227 = vector.shape_cast %get3A_226 : vector<1x16xf32> to vector<16xf32>
      %broadcast_in_dim3A_228 = arith.constant 80 : i32
      %broadcast_in_dim3A_229 = vector.broadcast %broadcast_in_dim3A_228 : i32 to vector<16xi32>
      %get3A_230 = arith.constant 17 : i32
      %get3A_231 = arith.index_cast %get3A_230 : i32 to index
      %get3A_232 = arith.index_cast %mul3A_67 : i32 to index
      %get3A_233 = tpu.vector_load %arg4[%get3A_231, %get3A_232] {strides = array<i32>} : memref<32x256xf32, #tpu.memory_space<vmem>>, vector<1x16xf32>,
      %get3A_234 = vector.shape_cast %get3A_233 : vector<1x16xf32> to vector<16xf32>
      %gt3A_235 = arith.cmpf ogt, %get3A_234, %get3A_227 : vector<16xf32>
      %select_n3A_236 = arith.select %gt3A_235, %get3A_234, %get3A_227 : vector<16xi1>, vector<16xf32>
      %jit3A_237 = arith.constant 81 : i32
      %broadcast_in_dim3A_238 = vector.broadcast %jit3A_237 : i32 to vector<16xi32>
      %select_n3A_239 = arith.select %gt3A_235, %broadcast_in_dim3A_238, %broadcast_in_dim3A_229 : vector<16xi1>, vector<16xi32>
      %get3A_240 = arith.constant 18 : i32
      %get3A_241 = arith.index_cast %get3A_240 : i32 to index
      %get3A_242 = arith.index_cast %mul3A_67 : i32 to index
      %get3A_243 = tpu.vector_load %arg4[%get3A_241, %get3A_242] {strides = array<i32>} : memref<32x256xf32, #tpu.memory_space<vmem>>, vector<1x16xf32>,
      %get3A_244 = vector.shape_cast %get3A_243 : vector<1x16xf32> to vector<16xf32>
      %gt3A_245 = arith.cmpf ogt, %get3A_244, %select_n3A_236 : vector<16xf32>
      %select_n3A_246 = arith.select %gt3A_245, %get3A_244, %select_n3A_236 : vector<16xi1>, vector<16xf32>
      %jit3A_247 = arith.constant 82 : i32
      %broadcast_in_dim3A_248 = vector.broadcast %jit3A_247 : i32 to vector<16xi32>
      %select_n3A_249 = arith.select %gt3A_245, %broadcast_in_dim3A_248, %select_n3A_239 : vector<16xi1>, vector<16xi32>
      %get3A_250 = arith.constant 19 : i32
      %get3A_251 = arith.index_cast %get3A_250 : i32 to index
      %get3A_252 = arith.index_cast %mul3A_67 : i32 to index
      %get3A_253 = tpu.vector_load %arg4[%get3A_251, %get3A_252] {strides = array<i32>} : memref<32x256xf32, #tpu.memory_space<vmem>>, vector<1x16xf32>,
      %get3A_254 = vector.shape_cast %get3A_253 : vector<1x16xf32> to vector<16xf32>
      %gt3A_255 = arith.cmpf ogt, %get3A_254, %select_n3A_246 : vector<16xf32>
      %select_n3A_256 = arith.select %gt3A_255, %get3A_254, %select_n3A_246 : vector<16xi1>, vector<16xf32>
      %jit3A_257 = arith.constant 83 : i32
      %broadcast_in_dim3A_258 = vector.broadcast %jit3A_257 : i32 to vector<16xi32>
      %select_n3A_259 = arith.select %gt3A_255, %broadcast_in_dim3A_258, %select_n3A_249 : vector<16xi1>, vector<16xi32>
      %get3A_260 = arith.constant 20 : i32
      %get3A_261 = arith.index_cast %get3A_260 : i32 to index
      %get3A_262 = arith.index_cast %mul3A_67 : i32 to index
      %get3A_263 = tpu.vector_load %arg4[%get3A_261, %get3A_262] {strides = array<i32>} : memref<32x256xf32, #tpu.memory_space<vmem>>, vector<1x16xf32>,
      %get3A_264 = vector.shape_cast %get3A_263 : vector<1x16xf32> to vector<16xf32>
      %gt3A_265 = arith.cmpf ogt, %get3A_264, %select_n3A_256 : vector<16xf32>
      %select_n3A_266 = arith.select %gt3A_265, %get3A_264, %select_n3A_256 : vector<16xi1>, vector<16xf32>
      %jit3A_267 = arith.constant 84 : i32
      %broadcast_in_dim3A_268 = vector.broadcast %jit3A_267 : i32 to vector<16xi32>
      %select_n3A_269 = arith.select %gt3A_265, %broadcast_in_dim3A_268, %select_n3A_259 : vector<16xi1>, vector<16xi32>
      %get3A_270 = arith.constant 21 : i32
      %get3A_271 = arith.index_cast %get3A_270 : i32 to index
      %get3A_272 = arith.index_cast %mul3A_67 : i32 to index
      %get3A_273 = tpu.vector_load %arg4[%get3A_271, %get3A_272] {strides = array<i32>} : memref<32x256xf32, #tpu.memory_space<vmem>>, vector<1x16xf32>,
      %get3A_274 = vector.shape_cast %get3A_273 : vector<1x16xf32> to vector<16xf32>
      %gt3A_275 = arith.cmpf ogt, %get3A_274, %select_n3A_266 : vector<16xf32>
      %select_n3A_276 = arith.select %gt3A_275, %get3A_274, %select_n3A_266 : vector<16xi1>, vector<16xf32>
      %jit3A_277 = arith.constant 85 : i32
      %broadcast_in_dim3A_278 = vector.broadcast %jit3A_277 : i32 to vector<16xi32>
      %select_n3A_279 = arith.select %gt3A_275, %broadcast_in_dim3A_278, %select_n3A_269 : vector<16xi1>, vector<16xi32>
      %get3A_280 = arith.constant 22 : i32
      %get3A_281 = arith.index_cast %get3A_280 : i32 to index
      %get3A_282 = arith.index_cast %mul3A_67 : i32 to index
      %get3A_283 = tpu.vector_load %arg4[%get3A_281, %get3A_282] {strides = array<i32>} : memref<32x256xf32, #tpu.memory_space<vmem>>, vector<1x16xf32>,
      %get3A_284 = vector.shape_cast %get3A_283 : vector<1x16xf32> to vector<16xf32>
      %gt3A_285 = arith.cmpf ogt, %get3A_284, %select_n3A_276 : vector<16xf32>
      %select_n3A_286 = arith.select %gt3A_285, %get3A_284, %select_n3A_276 : vector<16xi1>, vector<16xf32>
      %jit3A_287 = arith.constant 86 : i32
      %broadcast_in_dim3A_288 = vector.broadcast %jit3A_287 : i32 to vector<16xi32>
      %select_n3A_289 = arith.select %gt3A_285, %broadcast_in_dim3A_288, %select_n3A_279 : vector<16xi1>, vector<16xi32>
      %get3A_290 = arith.constant 23 : i32
      %get3A_291 = arith.index_cast %get3A_290 : i32 to index
      %get3A_292 = arith.index_cast %mul3A_67 : i32 to index
      %get3A_293 = tpu.vector_load %arg4[%get3A_291, %get3A_292] {strides = array<i32>} : memref<32x256xf32, #tpu.memory_space<vmem>>, vector<1x16xf32>,
      %get3A_294 = vector.shape_cast %get3A_293 : vector<1x16xf32> to vector<16xf32>
      %gt3A_295 = arith.cmpf ogt, %get3A_294, %select_n3A_286 : vector<16xf32>
      %select_n3A_296 = arith.select %gt3A_295, %get3A_294, %select_n3A_286 : vector<16xi1>, vector<16xf32>
      %jit3A_297 = arith.constant 87 : i32
      %broadcast_in_dim3A_298 = vector.broadcast %jit3A_297 : i32 to vector<16xi32>
      %select_n3A_299 = arith.select %gt3A_295, %broadcast_in_dim3A_298, %select_n3A_289 : vector<16xi1>, vector<16xi32>
      %get3A_300 = arith.constant 24 : i32
      %get3A_301 = arith.index_cast %get3A_300 : i32 to index
      %get3A_302 = arith.index_cast %mul3A_67 : i32 to index
      %get3A_303 = tpu.vector_load %arg4[%get3A_301, %get3A_302] {strides = array<i32>} : memref<32x256xf32, #tpu.memory_space<vmem>>, vector<1x16xf32>,
      %get3A_304 = vector.shape_cast %get3A_303 : vector<1x16xf32> to vector<16xf32>
      %broadcast_in_dim3A_305 = arith.constant 88 : i32
      %broadcast_in_dim3A_306 = vector.broadcast %broadcast_in_dim3A_305 : i32 to vector<16xi32>
      %get3A_307 = arith.constant 25 : i32
      %get3A_308 = arith.index_cast %get3A_307 : i32 to index
      %get3A_309 = arith.index_cast %mul3A_67 : i32 to index
      %get3A_310 = tpu.vector_load %arg4[%get3A_308, %get3A_309] {strides = array<i32>} : memref<32x256xf32, #tpu.memory_space<vmem>>, vector<1x16xf32>,
      %get3A_311 = vector.shape_cast %get3A_310 : vector<1x16xf32> to vector<16xf32>
      %gt3A_312 = arith.cmpf ogt, %get3A_311, %get3A_304 : vector<16xf32>
      %select_n3A_313 = arith.select %gt3A_312, %get3A_311, %get3A_304 : vector<16xi1>, vector<16xf32>
      %jit3A_314 = arith.constant 89 : i32
      %broadcast_in_dim3A_315 = vector.broadcast %jit3A_314 : i32 to vector<16xi32>
      %select_n3A_316 = arith.select %gt3A_312, %broadcast_in_dim3A_315, %broadcast_in_dim3A_306 : vector<16xi1>, vector<16xi32>
      %get3A_317 = arith.constant 26 : i32
      %get3A_318 = arith.index_cast %get3A_317 : i32 to index
      %get3A_319 = arith.index_cast %mul3A_67 : i32 to index
      %get3A_320 = tpu.vector_load %arg4[%get3A_318, %get3A_319] {strides = array<i32>} : memref<32x256xf32, #tpu.memory_space<vmem>>, vector<1x16xf32>,
      %get3A_321 = vector.shape_cast %get3A_320 : vector<1x16xf32> to vector<16xf32>
      %gt3A_322 = arith.cmpf ogt, %get3A_321, %select_n3A_313 : vector<16xf32>
      %select_n3A_323 = arith.select %gt3A_322, %get3A_321, %select_n3A_313 : vector<16xi1>, vector<16xf32>
      %jit3A_324 = arith.constant 90 : i32
      %broadcast_in_dim3A_325 = vector.broadcast %jit3A_324 : i32 to vector<16xi32>
      %select_n3A_326 = arith.select %gt3A_322, %broadcast_in_dim3A_325, %select_n3A_316 : vector<16xi1>, vector<16xi32>
      %get3A_327 = arith.constant 27 : i32
      %get3A_328 = arith.index_cast %get3A_327 : i32 to index
      %get3A_329 = arith.index_cast %mul3A_67 : i32 to index
      %get3A_330 = tpu.vector_load %arg4[%get3A_328, %get3A_329] {strides = array<i32>} : memref<32x256xf32, #tpu.memory_space<vmem>>, vector<1x16xf32>,
      %get3A_331 = vector.shape_cast %get3A_330 : vector<1x16xf32> to vector<16xf32>
      %gt3A_332 = arith.cmpf ogt, %get3A_331, %select_n3A_323 : vector<16xf32>
      %select_n3A_333 = arith.select %gt3A_332, %get3A_331, %select_n3A_323 : vector<16xi1>, vector<16xf32>
      %jit3A_334 = arith.constant 91 : i32
      %broadcast_in_dim3A_335 = vector.broadcast %jit3A_334 : i32 to vector<16xi32>
      %select_n3A_336 = arith.select %gt3A_332, %broadcast_in_dim3A_335, %select_n3A_326 : vector<16xi1>, vector<16xi32>
      %get3A_337 = arith.constant 28 : i32
      %get3A_338 = arith.index_cast %get3A_337 : i32 to index
      %get3A_339 = arith.index_cast %mul3A_67 : i32 to index
      %get3A_340 = tpu.vector_load %arg4[%get3A_338, %get3A_339] {strides = array<i32>} : memref<32x256xf32, #tpu.memory_space<vmem>>, vector<1x16xf32>,
      %get3A_341 = vector.shape_cast %get3A_340 : vector<1x16xf32> to vector<16xf32>
      %gt3A_342 = arith.cmpf ogt, %get3A_341, %select_n3A_333 : vector<16xf32>
      %select_n3A_343 = arith.select %gt3A_342, %get3A_341, %select_n3A_333 : vector<16xi1>, vector<16xf32>
      %jit3A_344 = arith.constant 92 : i32
      %broadcast_in_dim3A_345 = vector.broadcast %jit3A_344 : i32 to vector<16xi32>
      %select_n3A_346 = arith.select %gt3A_342, %broadcast_in_dim3A_345, %select_n3A_336 : vector<16xi1>, vector<16xi32>
      %get3A_347 = arith.constant 29 : i32
      %get3A_348 = arith.index_cast %get3A_347 : i32 to index
      %get3A_349 = arith.index_cast %mul3A_67 : i32 to index
      %get3A_350 = tpu.vector_load %arg4[%get3A_348, %get3A_349] {strides = array<i32>} : memref<32x256xf32, #tpu.memory_space<vmem>>, vector<1x16xf32>,
      %get3A_351 = vector.shape_cast %get3A_350 : vector<1x16xf32> to vector<16xf32>
      %gt3A_352 = arith.cmpf ogt, %get3A_351, %select_n3A_343 : vector<16xf32>
      %select_n3A_353 = arith.select %gt3A_352, %get3A_351, %select_n3A_343 : vector<16xi1>, vector<16xf32>
      %jit3A_354 = arith.constant 93 : i32
      %broadcast_in_dim3A_355 = vector.broadcast %jit3A_354 : i32 to vector<16xi32>
      %select_n3A_356 = arith.select %gt3A_352, %broadcast_in_dim3A_355, %select_n3A_346 : vector<16xi1>, vector<16xi32>
      %get3A_357 = arith.constant 30 : i32
      %get3A_358 = arith.index_cast %get3A_357 : i32 to index
      %get3A_359 = arith.index_cast %mul3A_67 : i32 to index
      %get3A_360 = tpu.vector_load %arg4[%get3A_358, %get3A_359] {strides = array<i32>} : memref<32x256xf32, #tpu.memory_space<vmem>>, vector<1x16xf32>,
      %get3A_361 = vector.shape_cast %get3A_360 : vector<1x16xf32> to vector<16xf32>
      %gt3A_362 = arith.cmpf ogt, %get3A_361, %select_n3A_353 : vector<16xf32>
      %select_n3A_363 = arith.select %gt3A_362, %get3A_361, %select_n3A_353 : vector<16xi1>, vector<16xf32>
      %jit3A_364 = arith.constant 94 : i32
      %broadcast_in_dim3A_365 = vector.broadcast %jit3A_364 : i32 to vector<16xi32>
      %select_n3A_366 = arith.select %gt3A_362, %broadcast_in_dim3A_365, %select_n3A_356 : vector<16xi1>, vector<16xi32>
      %get3A_367 = arith.constant 31 : i32
      %get3A_368 = arith.index_cast %get3A_367 : i32 to index
      %get3A_369 = arith.index_cast %mul3A_67 : i32 to index
      %get3A_370 = tpu.vector_load %arg4[%get3A_368, %get3A_369] {strides = array<i32>} : memref<32x256xf32, #tpu.memory_space<vmem>>, vector<1x16xf32>,
      %get3A_371 = vector.shape_cast %get3A_370 : vector<1x16xf32> to vector<16xf32>
      %gt3A_372 = arith.cmpf ogt, %get3A_371, %select_n3A_363 : vector<16xf32>
      %select_n3A_373 = arith.select %gt3A_372, %get3A_371, %select_n3A_363 : vector<16xi1>, vector<16xf32>
      %jit3A_374 = arith.constant 95 : i32
      %broadcast_in_dim3A_375 = vector.broadcast %jit3A_374 : i32 to vector<16xi32>
      %select_n3A_376 = arith.select %gt3A_372, %broadcast_in_dim3A_375, %select_n3A_366 : vector<16xi1>, vector<16xi32>
      %gt3A_377 = arith.cmpf ogt, %select_n3A_219, %select_n3A_142 : vector<16xf32>
      %select_n3A_378 = arith.select %gt3A_377, %select_n3A_219, %select_n3A_142 : vector<16xi1>, vector<16xf32>
      %select_n3A_379 = arith.select %gt3A_377, %select_n3A_222, %select_n3A_145 : vector<16xi1>, vector<16xi32>
      %gt3A_380 = arith.cmpf ogt, %select_n3A_373, %select_n3A_296 : vector<16xf32>
      %select_n3A_381 = arith.select %gt3A_380, %select_n3A_373, %select_n3A_296 : vector<16xi1>, vector<16xf32>
      %select_n3A_382 = arith.select %gt3A_380, %select_n3A_376, %select_n3A_299 : vector<16xi1>, vector<16xi32>
      %gt3A_383 = arith.cmpf ogt, %select_n3A_381, %select_n3A_378 : vector<16xf32>
      %select_n3A_384 = arith.select %gt3A_383, %select_n3A_381, %select_n3A_378 : vector<16xi1>, vector<16xf32>
      %select_n3A_385 = arith.select %gt3A_383, %select_n3A_382, %select_n3A_379 : vector<16xi1>, vector<16xi32>
      %gt3A_386 = arith.cmpf ogt, %select_n3A_384, %get3A_69 : vector<16xf32>
      %select_n3A_387 = arith.select %gt3A_386, %select_n3A_384, %get3A_69 : vector<16xi1>, vector<16xf32>
      %select_n3A_388 = arith.select %gt3A_386, %select_n3A_385, %get3A_72 : vector<16xi1>, vector<16xi32>
      %swap3A = arith.index_cast %mul3A_67 : i32 to index
      %swap3A_389 = tpu.vector_load %arg6[%swap3A] {strides = array<i32>} : memref<256xf32, #tpu.memory_space<vmem>>, vector<16xf32>,
      %swap3A_390 = vector.shape_cast %swap3A_389 : vector<16xf32> to vector<16xf32>
      %swap3A_391 = vector.shape_cast %select_n3A_387 : vector<16xf32> to vector<16xf32>
      tpu.vector_store %arg6[%swap3A], %swap3A_391 {strides = array<i32>} : memref<256xf32, #tpu.memory_space<vmem>>, vector<16xf32>,
      %swap3A_392 = arith.index_cast %mul3A_67 : i32 to index
      %swap3A_393 = tpu.vector_load %arg7[%swap3A_392] {strides = array<i32>} : memref<256xi32, #tpu.memory_space<vmem>>, vector<16xi32>,
      %swap3A_394 = vector.shape_cast %swap3A_393 : vector<16xi32> to vector<16xi32>
      %swap3A_395 = vector.shape_cast %select_n3A_388 : vector<16xi32> to vector<16xi32>
      tpu.vector_store %arg7[%swap3A_392], %swap3A_395 {strides = array<i32>} : memref<256xi32, #tpu.memory_space<vmem>>, vector<16xi32>,
      %scan3A_396 = arith.constant 0 : i32
      scf.yield %scan3A_396 : i32
    }
    %scan3A_48 = arith.constant 16 : i32
    %dma_wait3A_49 = arith.constant 96 : i32
    %dma_wait3A_50 = tpu.memref_slice %arg2[%dma_wait3A_49, %mul3A_2] : memref<128x32768xf32, #tpu.memory_space<hbm>> -> memref<32x256xf32, #tpu.memory_space<hbm>>
    %dma_wait3A_51 = arith.constant 96 : i32
    %dma_wait3A_52 = tpu.memref_slice %arg2[%dma_wait3A_51, %mul3A_2] : memref<128x32768xf32, #tpu.memory_space<hbm>> -> memref<32x256xf32, #tpu.memory_space<hbm>>
    tpu.wait_dma2 semaphore(%arg9 : memref<!tpu.dma_semaphore, #tpu.memory_space<semaphore_mem>>) src(%dma_wait3A_52 : memref<32x256xf32, #tpu.memory_space<hbm>>) dst(%arg5 : memref<32x256xf32, #tpu.memory_space<vmem>>)
    %scan3A_53 = arith.constant 0 : i32
    %scan3A_54 = arith.constant 0 : i32
    %scan3A_55 = arith.constant 16 : i32
    %scan3A_56 = arith.addi %scan3A_54, %scan3A_55 : i32
    %scan3A_57 = arith.constant 1 : i32
    %scan3A_58 = scf.for %scan3A_64 = %scan3A_54 to %scan3A_56 step %scan3A_57 iter_args(%scan3A_65 = %scan3A_53) -> (i32)  : i32 {
      %mul3A_66 = arith.constant 16 : i32
      %mul3A_67 = arith.muli %scan3A_64, %mul3A_66 : i32
      %get3A = arith.index_cast %mul3A_67 : i32 to index
      %get3A_68 = tpu.vector_load %arg6[%get3A] {strides = array<i32>} : memref<256xf32, #tpu.memory_space<vmem>>, vector<16xf32>,
      %get3A_69 = vector.shape_cast %get3A_68 : vector<16xf32> to vector<16xf32>
      %get3A_70 = arith.index_cast %mul3A_67 : i32 to index
      %get3A_71 = tpu.vector_load %arg7[%get3A_70] {strides = array<i32>} : memref<256xi32, #tpu.memory_space<vmem>>, vector<16xi32>,
      %get3A_72 = vector.shape_cast %get3A_71 : vector<16xi32> to vector<16xi32>
      %get3A_73 = arith.constant 0 : i32
      %get3A_74 = arith.index_cast %get3A_73 : i32 to index
      %get3A_75 = arith.index_cast %mul3A_67 : i32 to index
      %get3A_76 = tpu.vector_load %arg5[%get3A_74, %get3A_75] {strides = array<i32>} : memref<32x256xf32, #tpu.memory_space<vmem>>, vector<1x16xf32>,
      %get3A_77 = vector.shape_cast %get3A_76 : vector<1x16xf32> to vector<16xf32>
      %broadcast_in_dim3A = arith.constant 96 : i32
      %broadcast_in_dim3A_78 = vector.broadcast %broadcast_in_dim3A : i32 to vector<16xi32>
      %get3A_79 = arith.constant 1 : i32
      %get3A_80 = arith.index_cast %get3A_79 : i32 to index
      %get3A_81 = arith.index_cast %mul3A_67 : i32 to index
      %get3A_82 = tpu.vector_load %arg5[%get3A_80, %get3A_81] {strides = array<i32>} : memref<32x256xf32, #tpu.memory_space<vmem>>, vector<1x16xf32>,
      %get3A_83 = vector.shape_cast %get3A_82 : vector<1x16xf32> to vector<16xf32>
      %gt3A = arith.cmpf ogt, %get3A_83, %get3A_77 : vector<16xf32>
      %select_n3A = arith.select %gt3A, %get3A_83, %get3A_77 : vector<16xi1>, vector<16xf32>
      %jit3A = arith.constant 97 : i32
      %broadcast_in_dim3A_84 = vector.broadcast %jit3A : i32 to vector<16xi32>
      %select_n3A_85 = arith.select %gt3A, %broadcast_in_dim3A_84, %broadcast_in_dim3A_78 : vector<16xi1>, vector<16xi32>
      %get3A_86 = arith.constant 2 : i32
      %get3A_87 = arith.index_cast %get3A_86 : i32 to index
      %get3A_88 = arith.index_cast %mul3A_67 : i32 to index
      %get3A_89 = tpu.vector_load %arg5[%get3A_87, %get3A_88] {strides = array<i32>} : memref<32x256xf32, #tpu.memory_space<vmem>>, vector<1x16xf32>,
      %get3A_90 = vector.shape_cast %get3A_89 : vector<1x16xf32> to vector<16xf32>
      %gt3A_91 = arith.cmpf ogt, %get3A_90, %select_n3A : vector<16xf32>
      %select_n3A_92 = arith.select %gt3A_91, %get3A_90, %select_n3A : vector<16xi1>, vector<16xf32>
      %jit3A_93 = arith.constant 98 : i32
      %broadcast_in_dim3A_94 = vector.broadcast %jit3A_93 : i32 to vector<16xi32>
      %select_n3A_95 = arith.select %gt3A_91, %broadcast_in_dim3A_94, %select_n3A_85 : vector<16xi1>, vector<16xi32>
      %get3A_96 = arith.constant 3 : i32
      %get3A_97 = arith.index_cast %get3A_96 : i32 to index
      %get3A_98 = arith.index_cast %mul3A_67 : i32 to index
      %get3A_99 = tpu.vector_load %arg5[%get3A_97, %get3A_98] {strides = array<i32>} : memref<32x256xf32, #tpu.memory_space<vmem>>, vector<1x16xf32>,
      %get3A_100 = vector.shape_cast %get3A_99 : vector<1x16xf32> to vector<16xf32>
      %gt3A_101 = arith.cmpf ogt, %get3A_100, %select_n3A_92 : vector<16xf32>
      %select_n3A_102 = arith.select %gt3A_101, %get3A_100, %select_n3A_92 : vector<16xi1>, vector<16xf32>
      %jit3A_103 = arith.constant 99 : i32
      %broadcast_in_dim3A_104 = vector.broadcast %jit3A_103 : i32 to vector<16xi32>
      %select_n3A_105 = arith.select %gt3A_101, %broadcast_in_dim3A_104, %select_n3A_95 : vector<16xi1>, vector<16xi32>
      %get3A_106 = arith.constant 4 : i32
      %get3A_107 = arith.index_cast %get3A_106 : i32 to index
      %get3A_108 = arith.index_cast %mul3A_67 : i32 to index
      %get3A_109 = tpu.vector_load %arg5[%get3A_107, %get3A_108] {strides = array<i32>} : memref<32x256xf32, #tpu.memory_space<vmem>>, vector<1x16xf32>,
      %get3A_110 = vector.shape_cast %get3A_109 : vector<1x16xf32> to vector<16xf32>
      %gt3A_111 = arith.cmpf ogt, %get3A_110, %select_n3A_102 : vector<16xf32>
      %select_n3A_112 = arith.select %gt3A_111, %get3A_110, %select_n3A_102 : vector<16xi1>, vector<16xf32>
      %jit3A_113 = arith.constant 100 : i32
      %broadcast_in_dim3A_114 = vector.broadcast %jit3A_113 : i32 to vector<16xi32>
      %select_n3A_115 = arith.select %gt3A_111, %broadcast_in_dim3A_114, %select_n3A_105 : vector<16xi1>, vector<16xi32>
      %get3A_116 = arith.constant 5 : i32
      %get3A_117 = arith.index_cast %get3A_116 : i32 to index
      %get3A_118 = arith.index_cast %mul3A_67 : i32 to index
      %get3A_119 = tpu.vector_load %arg5[%get3A_117, %get3A_118] {strides = array<i32>} : memref<32x256xf32, #tpu.memory_space<vmem>>, vector<1x16xf32>,
      %get3A_120 = vector.shape_cast %get3A_119 : vector<1x16xf32> to vector<16xf32>
      %gt3A_121 = arith.cmpf ogt, %get3A_120, %select_n3A_112 : vector<16xf32>
      %select_n3A_122 = arith.select %gt3A_121, %get3A_120, %select_n3A_112 : vector<16xi1>, vector<16xf32>
      %jit3A_123 = arith.constant 101 : i32
      %broadcast_in_dim3A_124 = vector.broadcast %jit3A_123 : i32 to vector<16xi32>
      %select_n3A_125 = arith.select %gt3A_121, %broadcast_in_dim3A_124, %select_n3A_115 : vector<16xi1>, vector<16xi32>
      %get3A_126 = arith.constant 6 : i32
      %get3A_127 = arith.index_cast %get3A_126 : i32 to index
      %get3A_128 = arith.index_cast %mul3A_67 : i32 to index
      %get3A_129 = tpu.vector_load %arg5[%get3A_127, %get3A_128] {strides = array<i32>} : memref<32x256xf32, #tpu.memory_space<vmem>>, vector<1x16xf32>,
      %get3A_130 = vector.shape_cast %get3A_129 : vector<1x16xf32> to vector<16xf32>
      %gt3A_131 = arith.cmpf ogt, %get3A_130, %select_n3A_122 : vector<16xf32>
      %select_n3A_132 = arith.select %gt3A_131, %get3A_130, %select_n3A_122 : vector<16xi1>, vector<16xf32>
      %jit3A_133 = arith.constant 102 : i32
      %broadcast_in_dim3A_134 = vector.broadcast %jit3A_133 : i32 to vector<16xi32>
      %select_n3A_135 = arith.select %gt3A_131, %broadcast_in_dim3A_134, %select_n3A_125 : vector<16xi1>, vector<16xi32>
      %get3A_136 = arith.constant 7 : i32
      %get3A_137 = arith.index_cast %get3A_136 : i32 to index
      %get3A_138 = arith.index_cast %mul3A_67 : i32 to index
      %get3A_139 = tpu.vector_load %arg5[%get3A_137, %get3A_138] {strides = array<i32>} : memref<32x256xf32, #tpu.memory_space<vmem>>, vector<1x16xf32>,
      %get3A_140 = vector.shape_cast %get3A_139 : vector<1x16xf32> to vector<16xf32>
      %gt3A_141 = arith.cmpf ogt, %get3A_140, %select_n3A_132 : vector<16xf32>
      %select_n3A_142 = arith.select %gt3A_141, %get3A_140, %select_n3A_132 : vector<16xi1>, vector<16xf32>
      %jit3A_143 = arith.constant 103 : i32
      %broadcast_in_dim3A_144 = vector.broadcast %jit3A_143 : i32 to vector<16xi32>
      %select_n3A_145 = arith.select %gt3A_141, %broadcast_in_dim3A_144, %select_n3A_135 : vector<16xi1>, vector<16xi32>
      %get3A_146 = arith.constant 8 : i32
      %get3A_147 = arith.index_cast %get3A_146 : i32 to index
      %get3A_148 = arith.index_cast %mul3A_67 : i32 to index
      %get3A_149 = tpu.vector_load %arg5[%get3A_147, %get3A_148] {strides = array<i32>} : memref<32x256xf32, #tpu.memory_space<vmem>>, vector<1x16xf32>,
      %get3A_150 = vector.shape_cast %get3A_149 : vector<1x16xf32> to vector<16xf32>
      %broadcast_in_dim3A_151 = arith.constant 104 : i32
      %broadcast_in_dim3A_152 = vector.broadcast %broadcast_in_dim3A_151 : i32 to vector<16xi32>
      %get3A_153 = arith.constant 9 : i32
      %get3A_154 = arith.index_cast %get3A_153 : i32 to index
      %get3A_155 = arith.index_cast %mul3A_67 : i32 to index
      %get3A_156 = tpu.vector_load %arg5[%get3A_154, %get3A_155] {strides = array<i32>} : memref<32x256xf32, #tpu.memory_space<vmem>>, vector<1x16xf32>,
      %get3A_157 = vector.shape_cast %get3A_156 : vector<1x16xf32> to vector<16xf32>
      %gt3A_158 = arith.cmpf ogt, %get3A_157, %get3A_150 : vector<16xf32>
      %select_n3A_159 = arith.select %gt3A_158, %get3A_157, %get3A_150 : vector<16xi1>, vector<16xf32>
      %jit3A_160 = arith.constant 105 : i32
      %broadcast_in_dim3A_161 = vector.broadcast %jit3A_160 : i32 to vector<16xi32>
      %select_n3A_162 = arith.select %gt3A_158, %broadcast_in_dim3A_161, %broadcast_in_dim3A_152 : vector<16xi1>, vector<16xi32>
      %get3A_163 = arith.constant 10 : i32
      %get3A_164 = arith.index_cast %get3A_163 : i32 to index
      %get3A_165 = arith.index_cast %mul3A_67 : i32 to index
      %get3A_166 = tpu.vector_load %arg5[%get3A_164, %get3A_165] {strides = array<i32>} : memref<32x256xf32, #tpu.memory_space<vmem>>, vector<1x16xf32>,
      %get3A_167 = vector.shape_cast %get3A_166 : vector<1x16xf32> to vector<16xf32>
      %gt3A_168 = arith.cmpf ogt, %get3A_167, %select_n3A_159 : vector<16xf32>
      %select_n3A_169 = arith.select %gt3A_168, %get3A_167, %select_n3A_159 : vector<16xi1>, vector<16xf32>
      %jit3A_170 = arith.constant 106 : i32
      %broadcast_in_dim3A_171 = vector.broadcast %jit3A_170 : i32 to vector<16xi32>
      %select_n3A_172 = arith.select %gt3A_168, %broadcast_in_dim3A_171, %select_n3A_162 : vector<16xi1>, vector<16xi32>
      %get3A_173 = arith.constant 11 : i32
      %get3A_174 = arith.index_cast %get3A_173 : i32 to index
      %get3A_175 = arith.index_cast %mul3A_67 : i32 to index
      %get3A_176 = tpu.vector_load %arg5[%get3A_174, %get3A_175] {strides = array<i32>} : memref<32x256xf32, #tpu.memory_space<vmem>>, vector<1x16xf32>,
      %get3A_177 = vector.shape_cast %get3A_176 : vector<1x16xf32> to vector<16xf32>
      %gt3A_178 = arith.cmpf ogt, %get3A_177, %select_n3A_169 : vector<16xf32>
      %select_n3A_179 = arith.select %gt3A_178, %get3A_177, %select_n3A_169 : vector<16xi1>, vector<16xf32>
      %jit3A_180 = arith.constant 107 : i32
      %broadcast_in_dim3A_181 = vector.broadcast %jit3A_180 : i32 to vector<16xi32>
      %select_n3A_182 = arith.select %gt3A_178, %broadcast_in_dim3A_181, %select_n3A_172 : vector<16xi1>, vector<16xi32>
      %get3A_183 = arith.constant 12 : i32
      %get3A_184 = arith.index_cast %get3A_183 : i32 to index
      %get3A_185 = arith.index_cast %mul3A_67 : i32 to index
      %get3A_186 = tpu.vector_load %arg5[%get3A_184, %get3A_185] {strides = array<i32>} : memref<32x256xf32, #tpu.memory_space<vmem>>, vector<1x16xf32>,
      %get3A_187 = vector.shape_cast %get3A_186 : vector<1x16xf32> to vector<16xf32>
      %gt3A_188 = arith.cmpf ogt, %get3A_187, %select_n3A_179 : vector<16xf32>
      %select_n3A_189 = arith.select %gt3A_188, %get3A_187, %select_n3A_179 : vector<16xi1>, vector<16xf32>
      %jit3A_190 = arith.constant 108 : i32
      %broadcast_in_dim3A_191 = vector.broadcast %jit3A_190 : i32 to vector<16xi32>
      %select_n3A_192 = arith.select %gt3A_188, %broadcast_in_dim3A_191, %select_n3A_182 : vector<16xi1>, vector<16xi32>
      %get3A_193 = arith.constant 13 : i32
      %get3A_194 = arith.index_cast %get3A_193 : i32 to index
      %get3A_195 = arith.index_cast %mul3A_67 : i32 to index
      %get3A_196 = tpu.vector_load %arg5[%get3A_194, %get3A_195] {strides = array<i32>} : memref<32x256xf32, #tpu.memory_space<vmem>>, vector<1x16xf32>,
      %get3A_197 = vector.shape_cast %get3A_196 : vector<1x16xf32> to vector<16xf32>
      %gt3A_198 = arith.cmpf ogt, %get3A_197, %select_n3A_189 : vector<16xf32>
      %select_n3A_199 = arith.select %gt3A_198, %get3A_197, %select_n3A_189 : vector<16xi1>, vector<16xf32>
      %jit3A_200 = arith.constant 109 : i32
      %broadcast_in_dim3A_201 = vector.broadcast %jit3A_200 : i32 to vector<16xi32>
      %select_n3A_202 = arith.select %gt3A_198, %broadcast_in_dim3A_201, %select_n3A_192 : vector<16xi1>, vector<16xi32>
      %get3A_203 = arith.constant 14 : i32
      %get3A_204 = arith.index_cast %get3A_203 : i32 to index
      %get3A_205 = arith.index_cast %mul3A_67 : i32 to index
      %get3A_206 = tpu.vector_load %arg5[%get3A_204, %get3A_205] {strides = array<i32>} : memref<32x256xf32, #tpu.memory_space<vmem>>, vector<1x16xf32>,
      %get3A_207 = vector.shape_cast %get3A_206 : vector<1x16xf32> to vector<16xf32>
      %gt3A_208 = arith.cmpf ogt, %get3A_207, %select_n3A_199 : vector<16xf32>
      %select_n3A_209 = arith.select %gt3A_208, %get3A_207, %select_n3A_199 : vector<16xi1>, vector<16xf32>
      %jit3A_210 = arith.constant 110 : i32
      %broadcast_in_dim3A_211 = vector.broadcast %jit3A_210 : i32 to vector<16xi32>
      %select_n3A_212 = arith.select %gt3A_208, %broadcast_in_dim3A_211, %select_n3A_202 : vector<16xi1>, vector<16xi32>
      %get3A_213 = arith.constant 15 : i32
      %get3A_214 = arith.index_cast %get3A_213 : i32 to index
      %get3A_215 = arith.index_cast %mul3A_67 : i32 to index
      %get3A_216 = tpu.vector_load %arg5[%get3A_214, %get3A_215] {strides = array<i32>} : memref<32x256xf32, #tpu.memory_space<vmem>>, vector<1x16xf32>,
      %get3A_217 = vector.shape_cast %get3A_216 : vector<1x16xf32> to vector<16xf32>
      %gt3A_218 = arith.cmpf ogt, %get3A_217, %select_n3A_209 : vector<16xf32>
      %select_n3A_219 = arith.select %gt3A_218, %get3A_217, %select_n3A_209 : vector<16xi1>, vector<16xf32>
      %jit3A_220 = arith.constant 111 : i32
      %broadcast_in_dim3A_221 = vector.broadcast %jit3A_220 : i32 to vector<16xi32>
      %select_n3A_222 = arith.select %gt3A_218, %broadcast_in_dim3A_221, %select_n3A_212 : vector<16xi1>, vector<16xi32>
      %get3A_223 = arith.constant 16 : i32
      %get3A_224 = arith.index_cast %get3A_223 : i32 to index
      %get3A_225 = arith.index_cast %mul3A_67 : i32 to index
      %get3A_226 = tpu.vector_load %arg5[%get3A_224, %get3A_225] {strides = array<i32>} : memref<32x256xf32, #tpu.memory_space<vmem>>, vector<1x16xf32>,
      %get3A_227 = vector.shape_cast %get3A_226 : vector<1x16xf32> to vector<16xf32>
      %broadcast_in_dim3A_228 = arith.constant 112 : i32
      %broadcast_in_dim3A_229 = vector.broadcast %broadcast_in_dim3A_228 : i32 to vector<16xi32>
      %get3A_230 = arith.constant 17 : i32
      %get3A_231 = arith.index_cast %get3A_230 : i32 to index
      %get3A_232 = arith.index_cast %mul3A_67 : i32 to index
      %get3A_233 = tpu.vector_load %arg5[%get3A_231, %get3A_232] {strides = array<i32>} : memref<32x256xf32, #tpu.memory_space<vmem>>, vector<1x16xf32>,
      %get3A_234 = vector.shape_cast %get3A_233 : vector<1x16xf32> to vector<16xf32>
      %gt3A_235 = arith.cmpf ogt, %get3A_234, %get3A_227 : vector<16xf32>
      %select_n3A_236 = arith.select %gt3A_235, %get3A_234, %get3A_227 : vector<16xi1>, vector<16xf32>
      %jit3A_237 = arith.constant 113 : i32
      %broadcast_in_dim3A_238 = vector.broadcast %jit3A_237 : i32 to vector<16xi32>
      %select_n3A_239 = arith.select %gt3A_235, %broadcast_in_dim3A_238, %broadcast_in_dim3A_229 : vector<16xi1>, vector<16xi32>
      %get3A_240 = arith.constant 18 : i32
      %get3A_241 = arith.index_cast %get3A_240 : i32 to index
      %get3A_242 = arith.index_cast %mul3A_67 : i32 to index
      %get3A_243 = tpu.vector_load %arg5[%get3A_241, %get3A_242] {strides = array<i32>} : memref<32x256xf32, #tpu.memory_space<vmem>>, vector<1x16xf32>,
      %get3A_244 = vector.shape_cast %get3A_243 : vector<1x16xf32> to vector<16xf32>
      %gt3A_245 = arith.cmpf ogt, %get3A_244, %select_n3A_236 : vector<16xf32>
      %select_n3A_246 = arith.select %gt3A_245, %get3A_244, %select_n3A_236 : vector<16xi1>, vector<16xf32>
      %jit3A_247 = arith.constant 114 : i32
      %broadcast_in_dim3A_248 = vector.broadcast %jit3A_247 : i32 to vector<16xi32>
      %select_n3A_249 = arith.select %gt3A_245, %broadcast_in_dim3A_248, %select_n3A_239 : vector<16xi1>, vector<16xi32>
      %get3A_250 = arith.constant 19 : i32
      %get3A_251 = arith.index_cast %get3A_250 : i32 to index
      %get3A_252 = arith.index_cast %mul3A_67 : i32 to index
      %get3A_253 = tpu.vector_load %arg5[%get3A_251, %get3A_252] {strides = array<i32>} : memref<32x256xf32, #tpu.memory_space<vmem>>, vector<1x16xf32>,
      %get3A_254 = vector.shape_cast %get3A_253 : vector<1x16xf32> to vector<16xf32>
      %gt3A_255 = arith.cmpf ogt, %get3A_254, %select_n3A_246 : vector<16xf32>
      %select_n3A_256 = arith.select %gt3A_255, %get3A_254, %select_n3A_246 : vector<16xi1>, vector<16xf32>
      %jit3A_257 = arith.constant 115 : i32
      %broadcast_in_dim3A_258 = vector.broadcast %jit3A_257 : i32 to vector<16xi32>
      %select_n3A_259 = arith.select %gt3A_255, %broadcast_in_dim3A_258, %select_n3A_249 : vector<16xi1>, vector<16xi32>
      %get3A_260 = arith.constant 20 : i32
      %get3A_261 = arith.index_cast %get3A_260 : i32 to index
      %get3A_262 = arith.index_cast %mul3A_67 : i32 to index
      %get3A_263 = tpu.vector_load %arg5[%get3A_261, %get3A_262] {strides = array<i32>} : memref<32x256xf32, #tpu.memory_space<vmem>>, vector<1x16xf32>,
      %get3A_264 = vector.shape_cast %get3A_263 : vector<1x16xf32> to vector<16xf32>
      %gt3A_265 = arith.cmpf ogt, %get3A_264, %select_n3A_256 : vector<16xf32>
      %select_n3A_266 = arith.select %gt3A_265, %get3A_264, %select_n3A_256 : vector<16xi1>, vector<16xf32>
      %jit3A_267 = arith.constant 116 : i32
      %broadcast_in_dim3A_268 = vector.broadcast %jit3A_267 : i32 to vector<16xi32>
      %select_n3A_269 = arith.select %gt3A_265, %broadcast_in_dim3A_268, %select_n3A_259 : vector<16xi1>, vector<16xi32>
      %get3A_270 = arith.constant 21 : i32
      %get3A_271 = arith.index_cast %get3A_270 : i32 to index
      %get3A_272 = arith.index_cast %mul3A_67 : i32 to index
      %get3A_273 = tpu.vector_load %arg5[%get3A_271, %get3A_272] {strides = array<i32>} : memref<32x256xf32, #tpu.memory_space<vmem>>, vector<1x16xf32>,
      %get3A_274 = vector.shape_cast %get3A_273 : vector<1x16xf32> to vector<16xf32>
      %gt3A_275 = arith.cmpf ogt, %get3A_274, %select_n3A_266 : vector<16xf32>
      %select_n3A_276 = arith.select %gt3A_275, %get3A_274, %select_n3A_266 : vector<16xi1>, vector<16xf32>
      %jit3A_277 = arith.constant 117 : i32
      %broadcast_in_dim3A_278 = vector.broadcast %jit3A_277 : i32 to vector<16xi32>
      %select_n3A_279 = arith.select %gt3A_275, %broadcast_in_dim3A_278, %select_n3A_269 : vector<16xi1>, vector<16xi32>
      %get3A_280 = arith.constant 22 : i32
      %get3A_281 = arith.index_cast %get3A_280 : i32 to index
      %get3A_282 = arith.index_cast %mul3A_67 : i32 to index
      %get3A_283 = tpu.vector_load %arg5[%get3A_281, %get3A_282] {strides = array<i32>} : memref<32x256xf32, #tpu.memory_space<vmem>>, vector<1x16xf32>,
      %get3A_284 = vector.shape_cast %get3A_283 : vector<1x16xf32> to vector<16xf32>
      %gt3A_285 = arith.cmpf ogt, %get3A_284, %select_n3A_276 : vector<16xf32>
      %select_n3A_286 = arith.select %gt3A_285, %get3A_284, %select_n3A_276 : vector<16xi1>, vector<16xf32>
      %jit3A_287 = arith.constant 118 : i32
      %broadcast_in_dim3A_288 = vector.broadcast %jit3A_287 : i32 to vector<16xi32>
      %select_n3A_289 = arith.select %gt3A_285, %broadcast_in_dim3A_288, %select_n3A_279 : vector<16xi1>, vector<16xi32>
      %get3A_290 = arith.constant 23 : i32
      %get3A_291 = arith.index_cast %get3A_290 : i32 to index
      %get3A_292 = arith.index_cast %mul3A_67 : i32 to index
      %get3A_293 = tpu.vector_load %arg5[%get3A_291, %get3A_292] {strides = array<i32>} : memref<32x256xf32, #tpu.memory_space<vmem>>, vector<1x16xf32>,
      %get3A_294 = vector.shape_cast %get3A_293 : vector<1x16xf32> to vector<16xf32>
      %gt3A_295 = arith.cmpf ogt, %get3A_294, %select_n3A_286 : vector<16xf32>
      %select_n3A_296 = arith.select %gt3A_295, %get3A_294, %select_n3A_286 : vector<16xi1>, vector<16xf32>
      %jit3A_297 = arith.constant 119 : i32
      %broadcast_in_dim3A_298 = vector.broadcast %jit3A_297 : i32 to vector<16xi32>
      %select_n3A_299 = arith.select %gt3A_295, %broadcast_in_dim3A_298, %select_n3A_289 : vector<16xi1>, vector<16xi32>
      %get3A_300 = arith.constant 24 : i32
      %get3A_301 = arith.index_cast %get3A_300 : i32 to index
      %get3A_302 = arith.index_cast %mul3A_67 : i32 to index
      %get3A_303 = tpu.vector_load %arg5[%get3A_301, %get3A_302] {strides = array<i32>} : memref<32x256xf32, #tpu.memory_space<vmem>>, vector<1x16xf32>,
      %get3A_304 = vector.shape_cast %get3A_303 : vector<1x16xf32> to vector<16xf32>
      %broadcast_in_dim3A_305 = arith.constant 120 : i32
      %broadcast_in_dim3A_306 = vector.broadcast %broadcast_in_dim3A_305 : i32 to vector<16xi32>
      %get3A_307 = arith.constant 25 : i32
      %get3A_308 = arith.index_cast %get3A_307 : i32 to index
      %get3A_309 = arith.index_cast %mul3A_67 : i32 to index
      %get3A_310 = tpu.vector_load %arg5[%get3A_308, %get3A_309] {strides = array<i32>} : memref<32x256xf32, #tpu.memory_space<vmem>>, vector<1x16xf32>,
      %get3A_311 = vector.shape_cast %get3A_310 : vector<1x16xf32> to vector<16xf32>
      %gt3A_312 = arith.cmpf ogt, %get3A_311, %get3A_304 : vector<16xf32>
      %select_n3A_313 = arith.select %gt3A_312, %get3A_311, %get3A_304 : vector<16xi1>, vector<16xf32>
      %jit3A_314 = arith.constant 121 : i32
      %broadcast_in_dim3A_315 = vector.broadcast %jit3A_314 : i32 to vector<16xi32>
      %select_n3A_316 = arith.select %gt3A_312, %broadcast_in_dim3A_315, %broadcast_in_dim3A_306 : vector<16xi1>, vector<16xi32>
      %get3A_317 = arith.constant 26 : i32
      %get3A_318 = arith.index_cast %get3A_317 : i32 to index
      %get3A_319 = arith.index_cast %mul3A_67 : i32 to index
      %get3A_320 = tpu.vector_load %arg5[%get3A_318, %get3A_319] {strides = array<i32>} : memref<32x256xf32, #tpu.memory_space<vmem>>, vector<1x16xf32>,
      %get3A_321 = vector.shape_cast %get3A_320 : vector<1x16xf32> to vector<16xf32>
      %gt3A_322 = arith.cmpf ogt, %get3A_321, %select_n3A_313 : vector<16xf32>
      %select_n3A_323 = arith.select %gt3A_322, %get3A_321, %select_n3A_313 : vector<16xi1>, vector<16xf32>
      %jit3A_324 = arith.constant 122 : i32
      %broadcast_in_dim3A_325 = vector.broadcast %jit3A_324 : i32 to vector<16xi32>
      %select_n3A_326 = arith.select %gt3A_322, %broadcast_in_dim3A_325, %select_n3A_316 : vector<16xi1>, vector<16xi32>
      %get3A_327 = arith.constant 27 : i32
      %get3A_328 = arith.index_cast %get3A_327 : i32 to index
      %get3A_329 = arith.index_cast %mul3A_67 : i32 to index
      %get3A_330 = tpu.vector_load %arg5[%get3A_328, %get3A_329] {strides = array<i32>} : memref<32x256xf32, #tpu.memory_space<vmem>>, vector<1x16xf32>,
      %get3A_331 = vector.shape_cast %get3A_330 : vector<1x16xf32> to vector<16xf32>
      %gt3A_332 = arith.cmpf ogt, %get3A_331, %select_n3A_323 : vector<16xf32>
      %select_n3A_333 = arith.select %gt3A_332, %get3A_331, %select_n3A_323 : vector<16xi1>, vector<16xf32>
      %jit3A_334 = arith.constant 123 : i32
      %broadcast_in_dim3A_335 = vector.broadcast %jit3A_334 : i32 to vector<16xi32>
      %select_n3A_336 = arith.select %gt3A_332, %broadcast_in_dim3A_335, %select_n3A_326 : vector<16xi1>, vector<16xi32>
      %get3A_337 = arith.constant 28 : i32
      %get3A_338 = arith.index_cast %get3A_337 : i32 to index
      %get3A_339 = arith.index_cast %mul3A_67 : i32 to index
      %get3A_340 = tpu.vector_load %arg5[%get3A_338, %get3A_339] {strides = array<i32>} : memref<32x256xf32, #tpu.memory_space<vmem>>, vector<1x16xf32>,
      %get3A_341 = vector.shape_cast %get3A_340 : vector<1x16xf32> to vector<16xf32>
      %gt3A_342 = arith.cmpf ogt, %get3A_341, %select_n3A_333 : vector<16xf32>
      %select_n3A_343 = arith.select %gt3A_342, %get3A_341, %select_n3A_333 : vector<16xi1>, vector<16xf32>
      %jit3A_344 = arith.constant 124 : i32
      %broadcast_in_dim3A_345 = vector.broadcast %jit3A_344 : i32 to vector<16xi32>
      %select_n3A_346 = arith.select %gt3A_342, %broadcast_in_dim3A_345, %select_n3A_336 : vector<16xi1>, vector<16xi32>
      %get3A_347 = arith.constant 29 : i32
      %get3A_348 = arith.index_cast %get3A_347 : i32 to index
      %get3A_349 = arith.index_cast %mul3A_67 : i32 to index
      %get3A_350 = tpu.vector_load %arg5[%get3A_348, %get3A_349] {strides = array<i32>} : memref<32x256xf32, #tpu.memory_space<vmem>>, vector<1x16xf32>,
      %get3A_351 = vector.shape_cast %get3A_350 : vector<1x16xf32> to vector<16xf32>
      %gt3A_352 = arith.cmpf ogt, %get3A_351, %select_n3A_343 : vector<16xf32>
      %select_n3A_353 = arith.select %gt3A_352, %get3A_351, %select_n3A_343 : vector<16xi1>, vector<16xf32>
      %jit3A_354 = arith.constant 125 : i32
      %broadcast_in_dim3A_355 = vector.broadcast %jit3A_354 : i32 to vector<16xi32>
      %select_n3A_356 = arith.select %gt3A_352, %broadcast_in_dim3A_355, %select_n3A_346 : vector<16xi1>, vector<16xi32>
      %get3A_357 = arith.constant 30 : i32
      %get3A_358 = arith.index_cast %get3A_357 : i32 to index
      %get3A_359 = arith.index_cast %mul3A_67 : i32 to index
      %get3A_360 = tpu.vector_load %arg5[%get3A_358, %get3A_359] {strides = array<i32>} : memref<32x256xf32, #tpu.memory_space<vmem>>, vector<1x16xf32>,
      %get3A_361 = vector.shape_cast %get3A_360 : vector<1x16xf32> to vector<16xf32>
      %gt3A_362 = arith.cmpf ogt, %get3A_361, %select_n3A_353 : vector<16xf32>
      %select_n3A_363 = arith.select %gt3A_362, %get3A_361, %select_n3A_353 : vector<16xi1>, vector<16xf32>
      %jit3A_364 = arith.constant 126 : i32
      %broadcast_in_dim3A_365 = vector.broadcast %jit3A_364 : i32 to vector<16xi32>
      %select_n3A_366 = arith.select %gt3A_362, %broadcast_in_dim3A_365, %select_n3A_356 : vector<16xi1>, vector<16xi32>
      %get3A_367 = arith.constant 31 : i32
      %get3A_368 = arith.index_cast %get3A_367 : i32 to index
      %get3A_369 = arith.index_cast %mul3A_67 : i32 to index
      %get3A_370 = tpu.vector_load %arg5[%get3A_368, %get3A_369] {strides = array<i32>} : memref<32x256xf32, #tpu.memory_space<vmem>>, vector<1x16xf32>,
      %get3A_371 = vector.shape_cast %get3A_370 : vector<1x16xf32> to vector<16xf32>
      %gt3A_372 = arith.cmpf ogt, %get3A_371, %select_n3A_363 : vector<16xf32>
      %select_n3A_373 = arith.select %gt3A_372, %get3A_371, %select_n3A_363 : vector<16xi1>, vector<16xf32>
      %jit3A_374 = arith.constant 127 : i32
      %broadcast_in_dim3A_375 = vector.broadcast %jit3A_374 : i32 to vector<16xi32>
      %select_n3A_376 = arith.select %gt3A_372, %broadcast_in_dim3A_375, %select_n3A_366 : vector<16xi1>, vector<16xi32>
      %gt3A_377 = arith.cmpf ogt, %select_n3A_219, %select_n3A_142 : vector<16xf32>
      %select_n3A_378 = arith.select %gt3A_377, %select_n3A_219, %select_n3A_142 : vector<16xi1>, vector<16xf32>
      %select_n3A_379 = arith.select %gt3A_377, %select_n3A_222, %select_n3A_145 : vector<16xi1>, vector<16xi32>
      %gt3A_380 = arith.cmpf ogt, %select_n3A_373, %select_n3A_296 : vector<16xf32>
      %select_n3A_381 = arith.select %gt3A_380, %select_n3A_373, %select_n3A_296 : vector<16xi1>, vector<16xf32>
      %select_n3A_382 = arith.select %gt3A_380, %select_n3A_376, %select_n3A_299 : vector<16xi1>, vector<16xi32>
      %gt3A_383 = arith.cmpf ogt, %select_n3A_381, %select_n3A_378 : vector<16xf32>
      %select_n3A_384 = arith.select %gt3A_383, %select_n3A_381, %select_n3A_378 : vector<16xi1>, vector<16xf32>
      %select_n3A_385 = arith.select %gt3A_383, %select_n3A_382, %select_n3A_379 : vector<16xi1>, vector<16xi32>
      %gt3A_386 = arith.cmpf ogt, %select_n3A_384, %get3A_69 : vector<16xf32>
      %select_n3A_387 = arith.select %gt3A_386, %select_n3A_384, %get3A_69 : vector<16xi1>, vector<16xf32>
      %select_n3A_388 = arith.select %gt3A_386, %select_n3A_385, %get3A_72 : vector<16xi1>, vector<16xi32>
      %swap3A = arith.index_cast %mul3A_67 : i32 to index
      %swap3A_389 = tpu.vector_load %arg6[%swap3A] {strides = array<i32>} : memref<256xf32, #tpu.memory_space<vmem>>, vector<16xf32>,
      %swap3A_390 = vector.shape_cast %swap3A_389 : vector<16xf32> to vector<16xf32>
      %swap3A_391 = vector.shape_cast %select_n3A_387 : vector<16xf32> to vector<16xf32>
      tpu.vector_store %arg6[%swap3A], %swap3A_391 {strides = array<i32>} : memref<256xf32, #tpu.memory_space<vmem>>, vector<16xf32>,
      %swap3A_392 = arith.index_cast %mul3A_67 : i32 to index
      %swap3A_393 = tpu.vector_load %arg7[%swap3A_392] {strides = array<i32>} : memref<256xi32, #tpu.memory_space<vmem>>, vector<16xi32>,
      %swap3A_394 = vector.shape_cast %swap3A_393 : vector<16xi32> to vector<16xi32>
      %swap3A_395 = vector.shape_cast %select_n3A_388 : vector<16xi32> to vector<16xi32>
      tpu.vector_store %arg7[%swap3A_392], %swap3A_395 {strides = array<i32>} : memref<256xi32, #tpu.memory_space<vmem>>, vector<16xi32>,
      %scan3A_396 = arith.constant 0 : i32
      scf.yield %scan3A_396 : i32
    }
    %scan3A_59 = arith.constant 16 : i32
    %dma_start3A_60 = tpu.memref_slice %arg3[%mul3A_2] : memref<8192xi32, #tpu.memory_space<hbm>> -> memref<256xi32, #tpu.memory_space<hbm>>
    %dma_start3A_61 = tpu.memref_slice %arg3[%mul3A_2] : memref<8192xi32, #tpu.memory_space<hbm>> -> memref<256xi32, #tpu.memory_space<hbm>>
    tpu.enqueue_dma source(%arg7 : memref<256xi32, #tpu.memory_space<vmem>>) target(%dma_start3A_61 : memref<256xi32, #tpu.memory_space<hbm>>) target_semaphore(%arg10 : memref<!tpu.dma_semaphore, #tpu.memory_space<semaphore_mem>>)
    %dma_wait3A_62 = tpu.memref_slice %arg3[%mul3A_2] : memref<8192xi32, #tpu.memory_space<hbm>> -> memref<256xi32, #tpu.memory_space<hbm>>
    %dma_wait3A_63 = tpu.memref_slice %arg3[%mul3A_2] : memref<8192xi32, #tpu.memory_space<hbm>> -> memref<256xi32, #tpu.memory_space<hbm>>
    tpu.wait_dma2 semaphore(%arg10 : memref<!tpu.dma_semaphore, #tpu.memory_space<semaphore_mem>>) src(%arg7 : memref<256xi32, #tpu.memory_space<vmem>>) dst(%dma_wait3A_63 : memref<256xi32, #tpu.memory_space<hbm>>)
    return
  }
}

module attributes {stable_mosaic.version = 14 : i64} {
  func.func @_tc_body(%arg0: i32, %arg1: memref<128x2048xf32, #tpu.memory_space<vmem>>, %arg2: memref<2048xi32, #tpu.memory_space<vmem>>) attributes {dimension_semantics = [#tpu.dimension_semantics<arbitrary>], iteration_bounds = array<i64: 12>, scalar_prefetch = 0 : i64, scratch_operands = 0 : i64, tpu.core_type = #tpu.core_type<tc>, window_params = [{transform_indices = @transform_0, window_bounds = array<i64: 128, 2048>}, {transform_indices = @transform_1, window_bounds = array<i64: 2048>}]} {
    %get3A = arith.constant 0 : index
    %get3A_0 = arith.constant 0 : index
    %get3A_1 = vector.load %arg1[%get3A, %get3A_0] : memref<128x2048xf32, #tpu.memory_space<vmem>>, vector<128x2048xf32>
    %reduce_max3A = arith.constant dense<0xFF800000> : vector<2048xf32>
    %reduce_max3A_2 = vector.multi_reduction <maximumf>, %get3A_1, %reduce_max3A [0] : vector<128x2048xf32> to vector<2048xf32>
    %iota3A = tpu.iota {dimensions = array<i32: 0>} : vector<128x2048xi32>
    %broadcast_in_dim3A = vector.shape_cast %reduce_max3A_2 : vector<2048xf32> to vector<1x2048xf32>
    %eq3A = vector.broadcast %broadcast_in_dim3A : vector<1x2048xf32> to vector<128x2048xf32>
    %eq3A_3 = arith.cmpf oeq, %get3A_1, %eq3A : vector<128x2048xf32>
    %jit3A = arith.constant 128 : i32
    %broadcast_in_dim3A_4 = vector.broadcast %jit3A : i32 to vector<128x2048xi32>
    %select_n3A = arith.select %eq3A_3, %iota3A, %broadcast_in_dim3A_4 : vector<128x2048xi1>, vector<128x2048xi32>
    %reduce_min3A = arith.constant dense<2147483647> : vector<2048xi32>
    %reduce_min3A_5 = vector.multi_reduction <minsi>, %select_n3A, %reduce_min3A [0] : vector<128x2048xi32> to vector<2048xi32>
    %swap3A = arith.constant 0 : index
    %swap3A_6 = vector.load %arg2[%swap3A] : memref<2048xi32, #tpu.memory_space<vmem>>, vector<2048xi32>
    tpu.vector_store %arg2[%swap3A], %reduce_min3A_5 {strides = array<i32>} : memref<2048xi32, #tpu.memory_space<vmem>>, vector<2048xi32>,
    return
  }
  func.func @transform_0(%arg0: i32) -> (i32, i32) {
    %add3A = arith.constant 4 : i32
    %add3A_0 = arith.addi %arg0, %add3A : i32
    %c0_i32 = arith.constant 0 : i32
    %c0_i32_1 = arith.constant 0 : i32
    return %c0_i32, %add3A_0 : i32, i32
  }
  func.func @transform_1(%arg0: i32) -> i32 {
    %c0_i32 = arith.constant 0 : i32
    return %arg0 : i32
  }
}

</mosaic_0001>

<sc_bundles>
// kernel: kernel.4.cloned.1.call-start
scs
__scs_entry_jumppad:
0x0: {  	(pc) =	sbr.rel $0x88, $3  }
0x1: {  	(tag) =	ssettag $0x0;
	lr =	simm.s32 $0x1  }
0x2: {  	[smem:$0x3FA0] =	sst lr;
	_ =	strace $0xD0000000  }
0x3: {  	_ = 	snop  }
0x4: {  	_ = 	snop  }
0x5: {  	_ = 	snop  }
0x6: {  	_ = 	snop  }
0x7: {  	_ = 	snop  }
__scs_overlays_trampoline_lowered:
0x8: {  	[smem:$0x3FAF] =	sst s0  }
0x9: {  	[smem:$0x3FB0] =	sst s1  }
0xa: {  	[smem:$0x3FB1] =	sst s2  }
0xb: {  	[smem:$0x3FB2] =	sst s3  }
0xc: {  	[smem:$0x3FB3] =	sst s4  }
0xd: {  	[smem:$0x3FB4] =	sst s5  }
0xe: {  	[smem:$0x3FB5] =	sst s6  }
0xf: {  	[smem:$0x3FB6] =	sst s7  }
0x10: {  	[smem:$0x3FB7] =	sst s8  }
0x11: {  	[smem:$0x3FB8] =	sst s9;
	s0 =	simm.s32 @!p0 $0x0  }
0x12: {  	s1 =	sld [smem:$0x3F9E];
	s0 =	simm.s32 @p0 $0x1  }
0x13: {  	[smem:$0x3FB9] =	sst s0;
	s0 =	simm.s32 @!p1 $0x0  }
0x14: {  	s2 =	sld [smem:$0x3F9D];
	s0 =	simm.s32 @p1 $0x1  }
0x15: {  	[smem:$0x3FBA] =	sst s0;
	s0 =	simm.s32 @!p2 $0x0  }
0x16: {  	s3 =	sld [smem:$0x3FDB];
	s0 =	simm.s32 @p2 $0x1  }
0x17: {  	s4 =	simm.s32 $0x1BF5;
	[smem:$0x3FBC] =	sst s0  }
0x18: {  	s0 =	sld [smem:$0x3F9F];
	_ =	swait.ge [sflag:s4], $0x0  }
0x19: {  	s7 =	sld [smem:$0x3FA0]  }
0x1a: {  	s8 =	sadd.s32 $0xFFFFE003, lr  }
0x1b: {  	s9 =	sadd.s32 $0xFFFFFEF7, lr;
	s5 =	simm.s32 $0xFFFFFFFF;
	p2 =	slt.u32 s8, $0xFFFFF086  }
0x1c: {  	p1 =	slt.u32 s9, $0xF7A;
	s5 =	simm.s32 @!p2 $0x0  }
0x1d: {  	s5 =	simm.s32 @p1 $0x1;
	p0 =	seq.s32 s7, s2  }
0x1e: {  	s7 =	smul.u32 @!p0 $0xF7A, s2;
	p2 =	seq.s32 @!p0 s5, $0x0  }
0x1f: {  	s9 =	smul.u32 $0xF7A, s1;
	s8 =	simm.s32 @!p0 $0x1BF5;
	p2 =	por !p2, p0  }
0x20: {  	[sflag:s8] =	ssyncset.s32 @!p0 $0xFFFFF086;
	s6 =	sadd.s32 @!p0 s3, s7;
	s7 =	simm.s32 @!p0 $0x108  }
0x21: {  	s3 =	sadd.s32 s3, s9;
	s6 =	sadd.s32 @!p0 $0x88, s6;
	s7 =	simm.s32 @p2 $0x1082  }
0x22: {  	[simem:s7], [sflag:s8] =	dma.local @!p0 [hbm:s6], $0xF7A  }
0x23: {  	s9 =	sor.u32 $0xD0000000, s2;
	s6 =	simm.s32 $0x108;
	_ =	swait.ge @!p0 [sflag:s8], $0x0  }
0x24: {  	s3 =	sadd.s32 $0x88, s3;
	s6 =	simm.s32 @!p1 $0x1082;
	[sflag:s4] =	ssyncset.s32 $0xFFFFF086  }
0x25: {  	[simem:s6], [sflag:s4] =	dma.local [hbm:s3], $0xF7A  }
0x26: {  	[smem:$0x3FA0] =	sst s1;
	(tag) =	ssettag s2;
	_ =	strace s9  }
0x27: {  	s1 =	sld [smem:$0x3FB0]  }
0x28: {  	s2 =	sld [smem:$0x3FB1]  }
0x29: {  	s4 =	sld [smem:$0x3FB3]  }
0x2a: {  	p0 =	seq.s32 s5, $0x0;
	s5 =	sld [smem:$0x3FB4]  }
0x2b: {  	s6 =	sld [smem:$0x3FB5]  }
0x2c: {  	s7 =	sld [smem:$0x3FB6]  }
0x2d: {  	s3 =	simm.s32 $0x108;
	s8 =	sld [smem:$0x3FB7]  }
0x2e: {  	s3 =	simm.s32 @!p0 $0x1082;
	s9 =	sld [smem:$0x3FB8]  }
0x2f: {  	lr =	sadd.s32 s0, s3;
	s0 =	sld [smem:$0x3FAF]  }
0x30: {  	s3 =	sld [smem:$0x3FB2]  }
0x31: {  	[smem:$0x3FBB] =	sst s10  }
0x32: {  	s10 =	sld [smem:$0x3FB9];
	_ =	sdelay $0x3  }
0x33: {  	p0 =	seq.s32 s10, $0x1;
	s10 =	sld [smem:$0x3FBB];
	_ =	sdelay $0x3  }
0x34: {  	[smem:$0x3FBB] =	sst s10  }
0x35: {  	s10 =	sld [smem:$0x3FBA];
	_ =	sdelay $0x3  }
0x36: {  	p1 =	seq.s32 s10, $0x1;
	s10 =	sld [smem:$0x3FBB];
	_ =	sdelay $0x3  }
0x37: {  	[smem:$0x3FBB] =	sst s10  }
0x38: {  	s10 =	sld [smem:$0x3FBC]  }
0x39: {  	_ = 	snop;
	(pc) =	sbr.ind lr, $3  }
0x3a: {  	_ = 	snop  }
0x3b: {  	_ = 	snop  }
0x3c: {  	p2 =	seq.s32 s10, $0x1;
	s10 =	sld [smem:$0x3FBB]  }
0x3d: {  	_ =	shalt  }
0x3e: {  	_ =	shalt  }
0x3f: {  	_ =	shalt  }
0x40: {  	_ =	shalt  }
0x41: {  	_ =	shalt  }
0x42: {  	_ =	shalt  }
0x43: {  	_ =	shalt  }
0x44: {  	_ =	shalt  }
0x45: {  	_ =	shalt  }
0x46: {  	_ =	shalt  }
0x47: {  	_ =	shalt  }
0x48: {  	_ =	shalt  }
0x49: {  	_ =	shalt  }
0x4a: {  	_ =	shalt  }
0x4b: {  	_ =	shalt  }
0x4c: {  	_ =	shalt  }
0x4d: {  	_ =	shalt  }
0x4e: {  	_ =	shalt  }
0x4f: {  	_ =	shalt  }
0x50: {  	_ =	shalt  }
0x51: {  	_ =	shalt  }
0x52: {  	_ =	shalt  }
0x53: {  	_ =	shalt  }
0x54: {  	_ =	shalt  }
0x55: {  	_ =	shalt  }
0x56: {  	_ =	shalt  }
0x57: {  	_ =	shalt  }
0x58: {  	_ =	shalt  }
0x59: {  	_ =	shalt  }
0x5a: {  	_ =	shalt  }
0x5b: {  	_ =	shalt  }
0x5c: {  	_ =	shalt  }
0x5d: {  	_ =	shalt  }
0x5e: {  	_ =	shalt  }
0x5f: {  	_ =	shalt  }
0x60: {  	_ =	shalt  }
0x61: {  	_ =	shalt  }
0x62: {  	_ =	shalt  }
0x63: {  	_ =	shalt  }
0x64: {  	_ =	shalt  }
0x65: {  	_ =	shalt  }
0x66: {  	_ =	shalt  }
0x67: {  	_ =	shalt  }
0x68: {  	_ =	shalt  }
0x69: {  	_ =	shalt  }
0x6a: {  	_ =	shalt  }
0x6b: {  	_ =	shalt  }
0x6c: {  	_ =	shalt  }
0x6d: {  	_ =	shalt  }
0x6e: {  	_ =	shalt  }
0x6f: {  	_ =	shalt  }
0x70: {  	_ =	shalt  }
0x71: {  	_ =	shalt  }
0x72: {  	_ =	shalt  }
0x73: {  	_ =	shalt  }
0x74: {  	_ =	shalt  }
0x75: {  	_ =	shalt  }
0x76: {  	_ =	shalt  }
0x77: {  	_ =	shalt  }
0x78: {  	_ =	shalt  }
0x79: {  	_ =	shalt  }
0x7a: {  	_ =	shalt  }
0x7b: {  	_ =	shalt  }
0x7c: {  	_ =	shalt  }
0x7d: {  	_ =	shalt  }
0x7e: {  	_ =	shalt  }
0x7f: {  	_ =	shalt  }
0x80: {  	_ =	shalt  }
0x81: {  	_ =	shalt  }
0x82: {  	_ =	shalt  }
0x83: {  	_ =	shalt  }
0x84: {  	_ =	shalt  }
0x85: {  	_ =	shalt  }
0x86: {  	_ =	shalt  }
0x87: {  	_ =	shalt  }
.Lfunc_end0:
.L_simem_size_0:
called_computation_lowered:
.L_overlay_start_0:
0x88: {  	s2 =	sld [smem:$0x3FD9]  }
0x89: {  	s3 =	sld [smem:$0x3FFE];
	_ =	sdelay $0x1  }
0x8a: {  	s1 =	srdreg.scid  }
0x8b: {  	s0 =	sand.u32 $0x1, s1  }
0x8c: {  	s17 =	sshll.u32 s0, $0xA;
	s2 =	sadd.s32 s3, s2  }
0x8d: {  	s2 =	sadd.s32 s2, s17  }
0x8e: {  	[smem:$0x3FC7] =	sst s2  }
0x8f: {  	_ = 	snop  }
0x90: {  	s2 =	sld [smem:$0x3FC9];
	(tm) =	ssettm $0x1  }
0x91: {  	s18 =	sld [smem:$0x3FFB];
	_ =	sdelay $0x3  }
0x92: {  	_ =	strace s18  }
0x93: {  	s3 =	sld [smem:$0x3FFC];
	_ =	sdelay $0x3  }
0x94: {  	_ =	strace s3  }
0x95: {  	s3 =	sld [smem:$0x3FFD];
	_ =	sdelay $0x3  }
0x96: {  	_ =	strace s3  }
0x97: {  	_ =	strace $0x8FFFFFFF  }
0x98: {  	s19 =	sld [smem:$0x3FDB];
	_ =	sdelay $0x1  }
0x99: {  	s4 =	simm.s32 $_scs_section_size  }
0x9a: {  	s5 =	simm.s32 $_size__tile_overlayer_lowered;
	s6 =	simm.s32 $_tile_overlayer_lowered  }
0x9b: {  	s22 =	simm.s32 $0x1BFF;
	s21 =	sshll.u32 s6, $0x1;
	s3 =	sadd.s32 s4, s19  }
0x9c: {  	s7 =	simm.s32 $0x0;
	s20 =	sshll.u32 s5, $0x1;
	s5 =	sadd.s32 s21, s3  }
0x9d: {  	[timem:s7], [sflag:s22] =	dma.local [hbm:s5], s20  }
0x9e: {  	_ =	swait.ge [sflag:s22], s20  }
0x9f: {  	s4 =	ssub.s32 $0x0, s20;
	[sflag:s22] =	ssyncset.done $0x0  }
0xa0: {  	[sflag:s22] =	ssyncadd.s32 s4;
	_ =	sdelay $0x1  }
0xa1: {  	s23 =	simm.s32 $0x1B8B  }
0xa2: {  	_ =	swait.ge [sflag:s23], $0x1  }
0xa3: {  	[sflag:s23] =	ssyncset.done $0x0  }
0xa4: {  	s25 =	simm.s32 $0x1B8E;
	s24 =	sld [smem:$0x3FFE];
	[sflag:s23] =	ssyncadd.s32 $0xFFFFFFFF  }
0xa5: {  	s26 =	simm.s32 $execute0_lowered;
	[smem:$0x3FD2] =	sst s25  }
0xa6: {  	s5 =	sshll.u32 s26, $0x1;
	_ =	strace $0x80000046;
	[dreg:$0x1] =	wrdreg $0xFFFFFFFF  }
0xa7: {  	s28 =	simm.s32 $_size_execute0_lowered;
	s3 =	sadd.s32 s3, s5;
	[dreg:$0x0] =	wrdreg $0x0  }
0xa8: {  	s5 =	sshll.u32 s28, $0x1;
	[dreg:$0x2] =	wrdreg s3  }
0xa9: {  	[dreg:$0x3] =	wrdreg s5  }
0xaa: {  	[dreg:$0x4] =	wrdreg $0xC0  }
0xab: {  	_ =	task [dreg:s7], $0x5FFFF  }
0xac: {  	[dreg:$0x1] =	wrdreg $0xFFFFFFFF  }
0xad: {  	[dreg:$0x0] =	wrdreg $0x60  }
0xae: {  	[dreg:$0x2] =	wrdreg s2  }
0xaf: {  	[dreg:$0x3] =	wrdreg s24  }
0xb0: {  	[dreg:$0x4] =	wrdreg $0x9  }
0xb1: {  	_ =	task.clear_ibuf [dreg:s7], $0x5FFFF;
	_ =	strace $0x90000046  }
0xb2: {  	s29 =	simm.s32 $0x9;
	_ =	strace $0x80000048  }
0xb3: {  	_ =	swait.ge [sflag:s29], $0x1  }
0xb4: {  	[sflag:s29] =	ssyncadd.s32 $0xFFFFFFFF  }
0xb5: {  	_ =	strace $0x90000048  }
0xb6: {  	_ =	sfence  }
0xb7: {  	s30 =	sld [smem:$0x0];
	_ =	sdelay $0x2  }
0xb8: {  	s31 =	sshll.u32 s1, $0xD;
	s1 =	sshrl.u32 s1, $0x2  }
0xb9: {  	s3 =	sand.u32 $0x4000, s31;
	s1 =	sadd.s32 s1, s30  }
0xba: {  	s0 =	sor.u32 s3, s0;
	s1 =	sshll.u32 s1, $0x11  }
0xbb: {  	s0 =	sor.u32 s1, s0  }
0xbc: {  	s0 =	sadd.s32 $0x8F2B, s0  }
0xbd: {  	[sflag:s0] =	ssyncadd.remote.s32 $0x1  }
0xbe: {  	_ =	sfence.sel $0xFFFF  }
0xbf: {  	[dreg:$0x0] =	wrdreg $0xFFFFFFFF;
	(pc) =	sbr.abs _section_cstart, $3  }
0xc0: {  	[dreg:$0x1] =	wrdreg $0xFFFFFFFF  }
0xc1: {  	_ =	task.clear_ibuf [dreg:s7], $0x2FFFF;
	_ =	strace $0x9FFFFFFF  }
0xc2: {  	(tm) =	ssettm $0x7FFFFFFF  }
0xc3: {  	_ =	shalt  }
tec
execute0_lowered:
.L_overlay_start_1:
0x0: {  	(tag) =	ssettag $0x1  }
0x1: {  	s3 =	rddreg [dreg:$0x0]  }
0x2: {  	s4 =	rddreg [dreg:$0x1]  }
0x3: {  	s0 =	rddreg [dreg:$0x2];
	s5 =	srdreg.scid  }
0x4: {  	s2 =	simm.s32 $0x0;
	s1 =	stileid.u32;
	s9 =	simm.s32 $0x800  }
0x5: {  	s10 =	simm.s32 $0x40000;
	s11 =	simm.s32 $0x2000;
	s12 =	simm.s32 $0x1  }
0x6: {  	s13 =	simm.s32 $0x2;
	s14 =	simm.s32 $0x4100;
	s15 =	simm.s32 $0x3  }
0x7: {  	v0 =	vimm.s32 $0x0;
	s16 =	simm.s32 $0x0;
	s5 =	sand.u32 $0x1, s5;
	[smem:$0x7FF] =	sst s2  }
0x8: {  	v1 =	vimm.s32 $0x8;
	v2 =	vimm.s32 $0x10;
	v3 =	vimm.s32 $0x18;
	s6 =	sshll.u32 s1, $0x9;
	s7 =	sshll.u32 s5, $0x8;
	s5 =	ssub.s32 $0x2, s5  }
0x9: {  	v4 =	vimm.s32 $0x20;
	v5 =	vimm.s32 $0x28;
	v6 =	vimm.s32 $0x30;
	_ =	strace $0x80000047;
	s6 =	sor.u32 s7, s6;
	s8 =	sshrl.u32 s5, $0x1  }
0xa: {  	v7 =	vimm.s32 $0x38;
	v8 =	vimm.s32 $0x40;
	v9 =	vimm.s32 $0x48;
	s7 =	sshrl.u32 s6, $0x3;
	s3 =	sadd.s32 s3, s6;
	s8 =	ssub.s32 s5, s8  }
0xb: {  	v10 =	vimm.s32 $0x50;
	v11 =	vimm.s32 $0x58;
	v12 =	vimm.s32 $0x60;
	s7 =	sadd.s32 s7, s4;
	s4 =	sadd.s32 $0x20000, s3;
	s5 =	sadd.s32 $0x40000, s3  }
0xc: {  	v13 =	vimm.s32 $0x68;
	v14 =	vimm.s32 $0x70;
	v15 =	vimm.s32 $0x78;
	s6 =	sadd.s32 $0x60000, s3;
	s8 =	smax.u32 s8, $0x1;
	s7 =	sadd.s32 $0x600, s7  }
.LBB2_1:
0xd: {  	[tilespmem:s2], [sflag:$0x1] =	stream.strided.gather [hbm4b:s3+s9], $0x2000, s10, s9, $0x38;
	[tilespmem:$0x4200] =	vst v63  }
0xe: {  	_ = 	snop  }
0xf: {  	[tilespmem:s11], [sflag:$0x2] =	stream.strided.gather [hbm4b:s4+s9], $0x2000, s10, s9, $0x38;
	[tilespmem:$0x4200] =	vst v63  }
0x10: {  	_ =	swait.ge [sflag:s12], $0x2000  }
0x11: {  	s17 =	sand.u32 $0x70, s2;
	s18 =	sand.u32 $0x400, s2;
	[sflag:s12] =	ssyncset.done $0x0  }
0x12: {  	s19 =	sor.u32 s17, s18;
	[sflag:s12] =	ssyncadd.s32 $0xFFFFE000  }
0x13: {  	v16 =	vld [tilespmem:s19+$0xA80]  }
0x14: {  	v17 =	vld [tilespmem:s19+$0x1200]  }
0x15: {  	v19 =	vld [tilespmem:s19+$0x900]  }
0x16: {  	v20 =	vld [tilespmem:s19+$0x1880]  }
0x17: {  	v21 =	vld [tilespmem:s19+$0x880]  }
0x18: {  	v23 =	vld [tilespmem:s19+$0x80]  }
0x19: {  	v22 =	vld [tilespmem:s19+$0x1000]  }
0x1a: {  	v24 =	vld [tilespmem:s19+$0x1800]  }
0x1b: {  	v25 =	vld [tilespmem:s19+$0x1080]  }
0x1c: {  	v26 =	vld [tilespmem:s19+$0x800]  }
0x1d: {  	v27 =	vld [tilespmem:s19+$0x0]  }
0x1e: {  	v18 =	vld [tilespmem:s19+$0x1100]  }
0x1f: {  	v28 =	vld [tilespmem:s19+$0x1180]  }
0x20: {  	v29 =	vld [tilespmem:s19+$0x980]  }
0x21: {  	v30 =	vld [tilespmem:s19+$0x100];
	vm0 =	vgt.f32 v20, v24;
	vm1 =	vgt.f32 v25, v22;
	vm2 =	vgt.f32 v21, v26  }
0x22: {  	v31 =	vld [tilespmem:s19+$0xA00];
	vm6 =	vgt.f32 v23, v27;
	v20 =	vsel vm0, v20, v24;
	v24 =	vsel vm1, v25, v22  }
0x23: {  	v22 =	vsel vm1, $0x11, v2;
	v25 =	vld [tilespmem:s19+$0x180];
	v21 =	vsel vm2, v21, v26;
	vm8 =	vgt.f32 v18, v24  }
0x24: {  	v27 =	vsel vm6, v23, v27;
	v23 =	vld [tilespmem:s19+$0x1280];
	vm3 =	vgt.f32 v19, v21;
	v24 =	vsel vm8, v18, v24  }
0x25: {  	v32 =	vsel vm2, $0x9, v1;
	v18 =	vld [tilespmem:s19+$0x200];
	v19 =	vsel vm3, v19, v21;
	vm11 =	vgt.f32 v28, v24  }
0x26: {  	v26 =	vld [tilespmem:s19+$0x1900];
	vm1 =	vgt.f32 v30, v27;
	vm10 =	vgt.f32 v29, v19;
	v21 =	vsel vm11, v28, v24  }
0x27: {  	v28 =	vsel vm1, v30, v27;
	v19 =	vsel vm10, v29, v19;
	vm7 =	vgt.f32 v17, v21  }
0x28: {  	v24 =	vld [tilespmem:s19+$0x1980];
	vm2 =	vgt.f32 v25, v28;
	vm4 =	vgt.f32 v31, v19;
	v27 =	vsel vm7, v17, v21  }
0x29: {  	s20 =	simm.s32 $0x4000;
	s21 =	simm.s32 $0x10;
	s22 =	simm.s32 $0x0;
	v21 =	vsel vm2, v25, v28;
	v19 =	vsel vm4, v31, v19;
	v17 =	vld [tilespmem:s19+$0x1300];
	v28 =	vsel vm3, $0xA, v32  }
0x2a: {  	s23 =	simm.s32 $0x4100;
	s17 =	simm.s32 $0x4000;
	s18 =	simm.s32 $0x4100;
	v25 =	vld [tilespmem:s19+$0x1A00];
	vm9 =	vgt.f32 v23, v27;
	vm5 =	vgt.f32 v18, v21;
	vm3 =	vgt.f32 v16, v19  }
.LBB2_2:
0x2b: {  	v22 =	vsel vm8, $0x12, v22;
	v23 =	vsel vm9, v23, v27;
	vm8 =	vgt.f32 v26, v20;
	s22 =	sadd.s32 $0x80, s22;
	s20 =	sadd.s32 $0x10, s20;
	s23 =	sadd.s32 $0x10, s23  }
0x2c: {  	p0 =	sne.s32 s21, $0xF0;
	v27 =	vsel vm6, $0x1, v0;
	s24 =	smov.u32 s21;
	s21 =	sadd.s32 $0x10, s21;
	v22 =	vsel vm11, $0x13, v22;
	v20 =	vsel vm8, v26, v20;
	v26 =	vld [tilespmem:s19+$0x1A80]  }
0x2d: {  	v28 =	vsel vm10, $0xB, v28;
	v30 =	vsel vm0, $0x19, v3;
	v29 =	vld [tilespmem:s19+$0xB00];
	vm6 =	vgt.f32 v24, v20  }
0x2e: {  	v30 =	vsel vm8, $0x1A, v30;
	v31 =	vld [tilespmem:s19+$0x280];
	vm0 =	vgt.f32 v17, v23;
	v20 =	vsel vm6, v24, v20  }
0x2f: {  	v22 =	vsel vm7, $0x14, v22;
	v24 =	vsel vm6, $0x1B, v30;
	vm6 =	vgt.f32 v25, v20;
	v30 =	vld [tilespmem:s19+$0x1B00]  }
0x30: {  	v22 =	vsel vm9, $0x15, v22;
	v32 =	vld [tilespmem:s19+$0x300];
	v20 =	vsel vm6, v25, v20;
	v24 =	vsel vm6, $0x1C, v24  }
0x31: {  	v25 =	vsel vm1, $0x2, v27;
	v27 =	vsel vm4, $0xC, v28;
	v28 =	vld [tilespmem:s19+$0xB80];
	vm1 =	vgt.f32 v26, v20  }
0x32: {  	v18 =	vsel vm5, v18, v21;
	v25 =	vsel vm2, $0x3, v25;
	v27 =	vsel vm3, $0xD, v27;
	v21 =	vld [tilespmem:s19+$0x380]  }
0x33: {  	v25 =	vsel vm5, $0x4, v25;
	v20 =	vsel vm1, v26, v20;
	vm2 =	vgt.f32 v31, v18  }
0x34: {  	v16 =	vsel vm3, v16, v19;
	v18 =	vsel vm2, v31, v18;
	vm3 =	vgt.f32 v30, v20;
	v19 =	vld [tilespmem:s19+$0x1B80]  }
0x35: {  	vm5 =	vgt.f32 v29, v16;
	v24 =	vsel vm1, $0x1D, v24;
	vm4 =	vgt.f32 v32, v18  }
0x36: {  	v16 =	vsel vm5, v29, v16;
	v20 =	vsel vm3, v30, v20;
	v18 =	vsel vm4, v32, v18;
	v26 =	vld [tilespmem:s19+$0x1380]  }
0x37: {  	v24 =	vsel vm3, $0x1E, v24;
	vm6 =	vgt.f32 v28, v16;
	vm1 =	vgt.f32 v21, v18  }
0x38: {  	v16 =	vsel vm6, v28, v16;
	v18 =	vsel vm1, v21, v18;
	v21 =	vsel vm0, $0x16, v22  }
0x39: {  	v22 =	vsel vm2, $0x5, v25;
	vm2 =	vgt.f32 v19, v20;
	vm3 =	vgt.f32 v16, v18  }
0x3a: {  	v17 =	vsel vm0, v17, v23;
	v25 =	vsel vm5, $0xE, v27;
	v16 =	vsel vm3, v16, v18  }
0x3b: {  	v18 =	vsel vm6, $0xF, v25;
	v19 =	vsel vm2, v19, v20;
	vm0 =	vgt.f32 v26, v17  }
0x3c: {  	v20 =	vsel vm4, $0x6, v22;
	v17 =	vsel vm0, v26, v17;
	v21 =	vsel vm0, $0x17, v21  }
0x3d: {  	v22 =	vsel vm2, $0x1F, v24;
	v20 =	vsel vm1, $0x7, v20;
	vm0 =	vgt.f32 v19, v17  }
0x3e: {  	v18 =	vsel vm3, v18, v20;
	v17 =	vsel vm0, v19, v17;
	v19 =	vsel vm0, v22, v21  }
0x3f: {  	vm0 =	vgt.f32 v17, v16  }
0x40: {  	v16 =	vsel vm0, v17, v16;
	v17 =	vsel vm0, v19, v18  }
0x41: {  	s19 =	sand.u32 $0x70, s24;
	s24 =	sand.u32 $0x400, s22;
	[tilespmem:s17+$0x0] =	vst v16;
	s17 =	smov.u32 s20  }
0x42: {  	s19 =	sor.u32 s19, s24;
	[tilespmem:s18+$0x0] =	vst v17;
	s18 =	smov.u32 s23  }
0x43: {  	v16 =	vld [tilespmem:s19+$0xA80]  }
0x44: {  	v17 =	vld [tilespmem:s19+$0x1200]  }
0x45: {  	v19 =	vld [tilespmem:s19+$0x900]  }
0x46: {  	v18 =	vld [tilespmem:s19+$0x1100]  }
0x47: {  	v20 =	vld [tilespmem:s19+$0x1880]  }
0x48: {  	v21 =	vld [tilespmem:s19+$0x880]  }
0x49: {  	v23 =	vld [tilespmem:s19+$0x80]  }
0x4a: {  	v22 =	vld [tilespmem:s19+$0x1000]  }
0x4b: {  	v24 =	vld [tilespmem:s19+$0x1800]  }
0x4c: {  	v25 =	vld [tilespmem:s19+$0x1080]  }
0x4d: {  	v26 =	vld [tilespmem:s19+$0x800]  }
0x4e: {  	v27 =	vld [tilespmem:s19+$0x0]  }
0x4f: {  	v28 =	vld [tilespmem:s19+$0x1180]  }
0x50: {  	v29 =	vld [tilespmem:s19+$0x980];
	vm0 =	vgt.f32 v20, v24  }
0x51: {  	v30 =	vld [tilespmem:s19+$0x100];
	vm1 =	vgt.f32 v25, v22;
	v20 =	vsel vm0, v20, v24  }
0x52: {  	vm2 =	vgt.f32 v21, v26;
	v31 =	vld [tilespmem:s19+$0xA00];
	v24 =	vsel vm1, v25, v22;
	v22 =	vsel vm1, $0x11, v2  }
0x53: {  	vm6 =	vgt.f32 v23, v27;
	v25 =	vld [tilespmem:s19+$0x180];
	v21 =	vsel vm2, v21, v26;
	vm8 =	vgt.f32 v18, v24  }
0x54: {  	v27 =	vsel vm6, v23, v27;
	vm3 =	vgt.f32 v19, v21;
	v24 =	vsel vm8, v18, v24;
	v23 =	vld [tilespmem:s19+$0x1280]  }
0x55: {  	v32 =	vsel vm2, $0x9, v1;
	v18 =	vld [tilespmem:s19+$0x200];
	v19 =	vsel vm3, v19, v21;
	vm11 =	vgt.f32 v28, v24  }
.Ltmp0:
0x56: {  	vm1 =	vgt.f32 v30, v27;
	vm10 =	vgt.f32 v29, v19;
	v21 =	vsel vm11, v28, v24;
	v26 =	vld [tilespmem:s19+$0x1900];
	(pc) =	sbr.rel @p0 .LBB2_2-.Ltmp0, $4  }
0x57: {  	v28 =	vsel vm1, v30, v27;
	v19 =	vsel vm10, v29, v19;
	vm7 =	vgt.f32 v17, v21  }
0x58: {  	vm2 =	vgt.f32 v25, v28;
	vm4 =	vgt.f32 v31, v19;
	v27 =	vsel vm7, v17, v21;
	v24 =	vld [tilespmem:s19+$0x1980]  }
0x59: {  	v21 =	vsel vm2, v25, v28;
	v19 =	vsel vm4, v31, v19;
	vm9 =	vgt.f32 v23, v27;
	v17 =	vld [tilespmem:s19+$0x1300]  }
0x5a: {  	v28 =	vsel vm3, $0xA, v32;
	vm5 =	vgt.f32 v18, v21;
	vm3 =	vgt.f32 v16, v19;
	v25 =	vld [tilespmem:s19+$0x1A00]  }
0x5b: {  	v22 =	vsel vm8, $0x12, v22;
	vm15 =	vgt.f32 v26, v20  }
0x5c: {  	v23 =	vsel vm9, v23, v27;
	v27 =	vsel vm6, $0x1, v0;
	v28 =	vsel vm10, $0xB, v28  }
0x5d: {  	v29 =	vld [tilespmem:s19+$0xB00];
	v30 =	vsel vm0, $0x19, v3;
	v18 =	vsel vm5, v18, v21;
	v20 =	vsel vm15, v26, v20  }
0x5e: {  	v16 =	vsel vm3, v16, v19;
	v26 =	vld [tilespmem:s19+$0x1A80];
	v22 =	vsel vm11, $0x13, v22;
	vm12 =	vgt.f32 v24, v20  }
0x5f: {  	v31 =	vld [tilespmem:s19+$0x280];
	v22 =	vsel vm7, $0x14, v22;
	vm0 =	vgt.f32 v17, v23;
	v20 =	vsel vm12, v24, v20  }
0x60: {  	v32 =	vld [tilespmem:s19+$0x300];
	v24 =	vsel vm15, $0x1A, v30;
	v22 =	vsel vm9, $0x15, v22;
	vm13 =	vgt.f32 v25, v20  }
0x61: {  	v30 =	vld [tilespmem:s19+$0x1B00];
	v24 =	vsel vm12, $0x1B, v24;
	v17 =	vsel vm0, v17, v23;
	v20 =	vsel vm13, v25, v20  }
0x62: {  	v21 =	vld [tilespmem:s19+$0x380];
	v24 =	vsel vm13, $0x1C, v24;
	v25 =	vsel vm1, $0x2, v27;
	v27 =	vsel vm4, $0xC, v28  }
0x63: {  	v28 =	vld [tilespmem:s19+$0xB80];
	vm1 =	vgt.f32 v26, v20;
	v25 =	vsel vm2, $0x3, v25;
	v27 =	vsel vm3, $0xD, v27  }
0x64: {  	v19 =	vld [tilespmem:s19+$0x1B80];
	vm2 =	vgt.f32 v31, v18;
	v25 =	vsel vm5, $0x4, v25;
	v20 =	vsel vm1, v26, v20  }
0x65: {  	v18 =	vsel vm2, v31, v18;
	vm5 =	vgt.f32 v29, v16;
	v26 =	vld [tilespmem:s19+$0x1380];
	v24 =	vsel vm1, $0x1D, v24  }
0x66: {  	vm3 =	vgt.f32 v30, v20;
	vm4 =	vgt.f32 v32, v18;
	v16 =	vsel vm5, v29, v16  }
0x67: {  	v23 =	vsel vm5, $0xE, v27;
	v18 =	vsel vm4, v32, v18;
	v20 =	vsel vm3, v30, v20  }
0x68: {  	v24 =	vsel vm3, $0x1E, v24;
	vm1 =	vgt.f32 v21, v18;
	vm14 =	vgt.f32 v28, v16  }
0x69: {  	v18 =	vsel vm1, v21, v18;
	v16 =	vsel vm14, v28, v16;
	v21 =	vsel vm0, $0x16, v22  }
0x6a: {  	v22 =	vsel vm2, $0x5, v25;
	vm0 =	vgt.f32 v19, v20;
	vm3 =	vgt.f32 v26, v17  }
0x6b: {  	vm2 =	vgt.f32 v16, v18;
	v19 =	vsel vm0, v19, v20;
	v17 =	vsel vm3, v26, v17  }
0x6c: {  	v20 =	vsel vm4, $0x6, v22;
	v16 =	vsel vm2, v16, v18;
	vm5 =	vgt.f32 v19, v17  }
0x6d: {  	v18 =	vsel vm14, $0xF, v23;
	v21 =	vsel vm3, $0x17, v21;
	v17 =	vsel vm5, v19, v17  }
0x6e: {  	v19 =	vsel vm1, $0x7, v20;
	v20 =	vsel vm0, $0x1F, v24;
	vm0 =	vgt.f32 v17, v16  }
0x6f: {  	v18 =	vsel vm2, v18, v19;
	v19 =	vsel vm5, v20, v21;
	v16 =	vsel vm0, v17, v16  }
0x70: {  	v17 =	vsel vm0, v19, v18;
	[tilespmem:s17+$0x0] =	vst v16  }
0x71: {  	s29 =	simm.s32 $0x0;
	[tilespmem:s18+$0x0] =	vst v17  }
0x72: {  	[tilespmem:s29], [sflag:$0x1] =	stream.strided.gather [hbm4b:s5+s9], $0x2000, s10, s9, $0x38;
	[tilespmem:$0x4200] =	vst v63  }
0x73: {  	_ =	swait.ge [sflag:s13], $0x2000  }
0x74: {  	s30 =	sor.u32 s29, s29;
	s31 =	sand.u32 $0x70, s29;
	[sflag:s13] =	ssyncset.done $0x0  }
0x75: {  	s17 =	sand.u32 $0x400, s29;
	s18 =	sor.u32 $0x380, s30;
	[sflag:s13] =	ssyncadd.s32 $0xFFFFE000  }
0x76: {  	s17 =	sor.u32 s31, s17;
	v16 =	vld [tilespmem:s18+$0x2000]  }
0x77: {  	v17 =	vld [tilespmem:s17+$0x2B80]  }
0x78: {  	v18 =	vld [tilespmem:s17+$0x2080]  }
0x79: {  	v19 =	vld [tilespmem:s17+$0x2000]  }
0x7a: {  	v20 =	vld [tilespmem:s17+$0x2300]  }
0x7b: {  	v21 =	vld [tilespmem:s17+$0x2100]  }
0x7c: {  	v22 =	vld [tilespmem:s17+$0x2200]  }
0x7d: {  	v23 =	vld [tilespmem:s17+$0x2180]  }
0x7e: {  	v24 =	vld [tilespmem:s17+$0x2880];
	vm0 =	vgt.f32 v18, v19  }
0x7f: {  	v18 =	vsel vm0, v18, v19;
	v19 =	vld [tilespmem:s17+$0x2800]  }
0x80: {  	v25 =	vld [tilespmem:s17+$0x2280];
	vm1 =	vgt.f32 v21, v18  }
0x81: {  	v18 =	vsel vm1, v21, v18;
	v21 =	vld [tilespmem:s17+$0x2900]  }
0x82: {  	v26 =	vld [tilespmem:s17+$0x2B00];
	vm2 =	vgt.f32 v23, v18  }
0x83: {  	v18 =	vsel vm2, v23, v18;
	v23 =	vld [tilespmem:s17+$0x2980]  }
0x84: {  	v28 =	vld [tilespmem:s17+$0x2A80];
	v27 =	vsel vm0, $0x21, v4;
	vm0 =	vgt.f32 v22, v18;
	vm3 =	vgt.f32 v24, v19  }
0x85: {  	v27 =	vsel vm1, $0x22, v27;
	v18 =	vsel vm0, v22, v18;
	v19 =	vsel vm3, v24, v19;
	v22 =	vld [tilespmem:s17+$0x2A00]  }
0x86: {  	v24 =	vsel vm2, $0x23, v27;
	v27 =	vld [tilespmem:s17+$0x3080];
	vm1 =	vgt.f32 v25, v18;
	vm2 =	vgt.f32 v21, v19  }
0x87: {  	v24 =	vsel vm0, $0x24, v24;
	v18 =	vsel vm1, v25, v18;
	v19 =	vsel vm2, v21, v19;
	v21 =	vld [tilespmem:s17+$0x3000]  }
0x88: {  	v24 =	vsel vm1, $0x25, v24;
	v25 =	vld [tilespmem:s17+$0x3880];
	vm0 =	vgt.f32 v20, v18;
	vm1 =	vgt.f32 v23, v19  }
0x89: {  	v29 =	vsel vm3, $0x29, v5;
	v24 =	vsel vm0, $0x26, v24;
	v19 =	vsel vm1, v23, v19;
	v23 =	vld [tilespmem:s17+$0x3800]  }
0x8a: {  	v18 =	vsel vm0, v20, v18;
	v20 =	vsel vm2, $0x2A, v29;
	v29 =	vld [tilespmem:s17+$0x3100];
	vm0 =	vgt.f32 v22, v19  }
0x8b: {  	vm2 =	vgt.f32 v16, v18;
	v20 =	vsel vm1, $0x2B, v20;
	v19 =	vsel vm0, v22, v19;
	v22 =	vld [tilespmem:s17+$0x3900]  }
0x8c: {  	v30 =	vld [tilespmem:s17+$0x3180];
	v20 =	vsel vm0, $0x2C, v20;
	v16 =	vsel vm2, v16, v18;
	vm0 =	vgt.f32 v28, v19  }
0x8d: {  	vm3 =	vgt.f32 v27, v21;
	v18 =	vsel vm0, v28, v19;
	v19 =	vsel vm0, $0x2D, v20;
	v20 =	vld [tilespmem:s17+$0x3980]  }
0x8e: {  	v24 =	vsel vm2, $0x27, v24;
	v28 =	vld [tilespmem:s17+$0x3200];
	v21 =	vsel vm3, v27, v21;
	vm0 =	vgt.f32 v25, v23  }
0x8f: {  	vm1 =	vgt.f32 v26, v18;
	vm4 =	vgt.f32 v29, v21;
	v23 =	vsel vm0, v25, v23;
	v25 =	vld [tilespmem:s17+$0x3A00]  }
0x90: {  	v19 =	vsel vm1, $0x2E, v19;
	v18 =	vsel vm1, v26, v18;
	v26 =	vld [tilespmem:s17+$0x3280];
	vm2 =	vgt.f32 v22, v23  }
0x91: {  	v21 =	vsel vm4, v29, v21;
	vm1 =	vgt.f32 v17, v18;
	v22 =	vsel vm2, v22, v23;
	v23 =	vld [tilespmem:s17+$0x3A80]  }
0x92: {  	v27 =	vld [tilespmem:s17+$0x3300];
	vm5 =	vgt.f32 v30, v21;
	v19 =	vsel vm1, $0x2F, v19;
	vm15 =	vgt.f32 v20, v22  }
0x93: {  	v17 =	vsel vm1, v17, v18;
	v18 =	vsel vm5, v30, v21;
	v21 =	vld [tilespmem:s17+$0x3B00];
	v20 =	vsel vm15, v20, v22  }
0x94: {  	vm12 =	vgt.f32 v28, v18;
	vm1 =	vgt.f32 v17, v16;
	v22 =	vld [tilespmem:s17+$0x3380];
	vm13 =	vgt.f32 v25, v20  }
0x95: {  	v18 =	vsel vm12, v28, v18;
	v16 =	vsel vm1, v17, v16;
	v20 =	vsel vm13, v25, v20;
	v25 =	vld [tilespmem:s17+$0x3B80]  }
0x96: {  	v17 =	vsel vm3, $0x31, v6;
	vm3 =	vgt.f32 v26, v18;
	vm14 =	vgt.f32 v23, v20  }
0x97: {  	v17 =	vsel vm4, $0x32, v17;
	v18 =	vsel vm3, v26, v18;
	v20 =	vsel vm14, v23, v20  }
0x98: {  	v17 =	vsel vm5, $0x33, v17;
	vm4 =	vgt.f32 v27, v18;
	vm5 =	vgt.f32 v21, v20  }
0x99: {  	v18 =	vsel vm4, v27, v18;
	v23 =	vsel vm0, $0x39, v7;
	v20 =	vsel vm5, v21, v20  }
0x9a: {  	s17 =	simm.s32 $0x4000;
	vm0 =	vgt.f32 v22, v18;
	v21 =	vsel vm2, $0x3A, v23;
	vm2 =	vgt.f32 v25, v20  }
0x9b: {  	v23 =	vld [tilespmem:s17+$0x0];
	v18 =	vsel vm0, v22, v18;
	v21 =	vsel vm15, $0x3B, v21;
	v20 =	vsel vm2, v25, v20  }
0x9c: {  	s18 =	simm.s32 $0x4100;
	v17 =	vsel vm12, $0x34, v17;
	v21 =	vsel vm13, $0x3C, v21;
	vm15 =	vgt.f32 v20, v18  }
0x9d: {  	v17 =	vsel vm3, $0x35, v17;
	v22 =	vld [tilespmem:s18+$0x0];
	v21 =	vsel vm14, $0x3D, v21;
	v18 =	vsel vm15, v20, v18  }
0x9e: {  	v17 =	vsel vm4, $0x36, v17;
	v20 =	vsel vm5, $0x3E, v21;
	vm3 =	vgt.f32 v18, v16  }
0x9f: {  	v17 =	vsel vm0, $0x37, v17;
	v20 =	vsel vm2, $0x3F, v20;
	v16 =	vsel vm3, v18, v16  }
0xa0: {  	v18 =	vsel vm1, v19, v24;
	v17 =	vsel vm15, v20, v17;
	vm0 =	vgt.f32 v16, v23  }
0xa1: {  	s20 =	simm.s32 $0x10;
	s19 =	simm.s32 $0x80;
	v17 =	vsel vm3, v17, v18;
	v16 =	vsel vm0, v16, v23  }
0xa2: {  	s21 =	sor.u32 s19, s20;
	v17 =	vsel vm0, v17, v22;
	[tilespmem:s17+$0x0] =	vst v16  }
0xa3: {  	s20 =	sand.u32 $0x70, s20;
	s22 =	sand.u32 $0x400, s19;
	s21 =	sor.u32 $0x380, s21;
	[tilespmem:s18+$0x0] =	vst v17  }
0xa4: {  	s20 =	sor.u32 s20, s22;
	v17 =	vld [tilespmem:s21+$0x2000]  }
0xa5: {  	v16 =	vld [tilespmem:s20+$0x2B80]  }
0xa6: {  	v18 =	vld [tilespmem:s20+$0x2080]  }
0xa7: {  	v20 =	vld [tilespmem:s20+$0x2000]  }
0xa8: {  	v19 =	vld [tilespmem:s20+$0x2300]  }
0xa9: {  	v21 =	vld [tilespmem:s20+$0x2100]  }
0xaa: {  	v22 =	vld [tilespmem:s20+$0x2200]  }
0xab: {  	v23 =	vld [tilespmem:s20+$0x2180]  }
0xac: {  	v25 =	vld [tilespmem:s20+$0x2880];
	vm0 =	vgt.f32 v18, v20  }
0xad: {  	v26 =	vld [tilespmem:s20+$0x2800];
	v18 =	vsel vm0, v18, v20  }
0xae: {  	v27 =	vld [tilespmem:s20+$0x2280];
	vm1 =	vgt.f32 v21, v18  }
0xaf: {  	v28 =	vld [tilespmem:s20+$0x2900];
	v20 =	vsel vm1, v21, v18  }
0xb0: {  	v24 =	vld [tilespmem:s20+$0x2980];
	vm2 =	vgt.f32 v23, v20  }
0xb1: {  	v18 =	vld [tilespmem:s20+$0x2B00];
	v21 =	vsel vm2, v23, v20  }
0xb2: {  	v23 =	vsel vm0, $0x21, v4;
	vm0 =	vgt.f32 v25, v26;
	v20 =	vld [tilespmem:s20+$0x2A80];
	vm3 =	vgt.f32 v22, v21  }
0xb3: {  	v23 =	vsel vm1, $0x22, v23;
	v29 =	vsel vm0, v25, v26;
	v25 =	vld [tilespmem:s20+$0x2A00];
	v22 =	vsel vm3, v22, v21  }
0xb4: {  	v23 =	vsel vm2, $0x23, v23;
	vm1 =	vgt.f32 v28, v29;
	v21 =	vld [tilespmem:s20+$0x3080];
	vm2 =	vgt.f32 v27, v22  }
0xb5: {  	v23 =	vsel vm3, $0x24, v23;
	v26 =	vsel vm2, v27, v22;
	v27 =	vsel vm1, v28, v29;
	v22 =	vld [tilespmem:s20+$0x3000]  }
0xb6: {  	s21 =	simm.s32 $0x20;
	v28 =	vsel vm2, $0x25, v23;
	v23 =	vld [tilespmem:s20+$0x3880];
	vm3 =	vgt.f32 v19, v26;
	vm2 =	vgt.f32 v24, v27  }
.LBB2_4:
0xb7: {  	p0 =	sne.s32 s21, $0xF0;
	v28 =	vsel vm3, $0x26, v28;
	v29 =	vsel vm0, $0x29, v5;
	v24 =	vsel vm2, v24, v27;
	v27 =	vld [tilespmem:s20+$0x3800]  }
0xb8: {  	v19 =	vsel vm3, v19, v26;
	v26 =	vsel vm1, $0x2A, v29;
	vm0 =	vgt.f32 v25, v24;
	v29 =	vld [tilespmem:s20+$0x3100]  }
0xb9: {  	vm1 =	vgt.f32 v17, v19;
	v26 =	vsel vm2, $0x2B, v26;
	v24 =	vsel vm0, v25, v24;
	v25 =	vld [tilespmem:s20+$0x3900]  }
0xba: {  	v28 =	vsel vm1, $0x27, v28;
	v26 =	vsel vm0, $0x2C, v26;
	vm0 =	vgt.f32 v20, v24;
	v30 =	vld [tilespmem:s20+$0x3180]  }
0xbb: {  	v17 =	vsel vm1, v17, v19;
	v19 =	vsel vm0, v20, v24;
	v20 =	vsel vm0, $0x2D, v26;
	v24 =	vld [tilespmem:s20+$0x3980]  }
0xbc: {  	vm4 =	vgt.f32 v21, v22;
	vm0 =	vgt.f32 v18, v19;
	v26 =	vld [tilespmem:s20+$0x3200];
	vm1 =	vgt.f32 v23, v27  }
0xbd: {  	v21 =	vsel vm4, v21, v22;
	v20 =	vsel vm0, $0x2E, v20;
	v22 =	vsel vm1, v23, v27;
	v23 =	vld [tilespmem:s20+$0x3A00]  }
0xbe: {  	v18 =	vsel vm0, v18, v19;
	vm7 =	vgt.f32 v29, v21;
	v19 =	vld [tilespmem:s20+$0x3280];
	vm2 =	vgt.f32 v25, v22  }
0xbf: {  	vm0 =	vgt.f32 v16, v18;
	v21 =	vsel vm7, v29, v21;
	v22 =	vsel vm2, v25, v22;
	v25 =	vld [tilespmem:s20+$0x3A80]  }
0xc0: {  	v20 =	vsel vm0, $0x2F, v20;
	vm8 =	vgt.f32 v30, v21;
	v27 =	vld [tilespmem:s20+$0x3300];
	vm3 =	vgt.f32 v24, v22  }
0xc1: {  	v16 =	vsel vm0, v16, v18;
	v18 =	vsel vm8, v30, v21;
	v21 =	vsel vm3, v24, v22;
	v22 =	vld [tilespmem:s20+$0x3B00]  }
0xc2: {  	vm0 =	vgt.f32 v16, v17;
	vm5 =	vgt.f32 v26, v18;
	v24 =	vld [tilespmem:s20+$0x3380];
	vm6 =	vgt.f32 v23, v21  }
0xc3: {  	v16 =	vsel vm0, v16, v17;
	v18 =	vsel vm5, v26, v18;
	v21 =	vsel vm6, v23, v21;
	v23 =	vld [tilespmem:s20+$0x3B80]  }
0xc4: {  	v17 =	vsel vm4, $0x31, v6;
	vm4 =	vgt.f32 v19, v18;
	vm9 =	vgt.f32 v25, v21  }
0xc5: {  	v17 =	vsel vm7, $0x32, v17;
	v18 =	vsel vm4, v19, v18;
	v19 =	vsel vm9, v25, v21  }
0xc6: {  	v17 =	vsel vm8, $0x33, v17;
	vm7 =	vgt.f32 v27, v18;
	vm8 =	vgt.f32 v22, v19  }
0xc7: {  	v21 =	vsel vm1, $0x39, v7;
	v18 =	vsel vm7, v27, v18;
	v19 =	vsel vm8, v22, v19  }
0xc8: {  	s17 =	sadd.s32 $0x10, s17;
	v21 =	vsel vm2, $0x3A, v21;
	vm1 =	vgt.f32 v24, v18;
	vm2 =	vgt.f32 v23, v19  }
0xc9: {  	v21 =	vsel vm3, $0x3B, v21;
	v18 =	vsel vm1, v24, v18;
	v22 =	vld [tilespmem:s17+$0x0];
	v19 =	vsel vm2, v23, v19  }
0xca: {  	s18 =	sadd.s32 $0x10, s18;
	v17 =	vsel vm5, $0x34, v17;
	v21 =	vsel vm6, $0x3C, v21;
	vm3 =	vgt.f32 v19, v18  }
0xcb: {  	v17 =	vsel vm4, $0x35, v17;
	v21 =	vsel vm9, $0x3D, v21;
	v23 =	vld [tilespmem:s18+$0x0];
	v18 =	vsel vm3, v19, v18  }
0xcc: {  	v17 =	vsel vm7, $0x36, v17;
	v19 =	vsel vm8, $0x3E, v21;
	vm4 =	vgt.f32 v18, v16  }
0xcd: {  	v17 =	vsel vm1, $0x37, v17;
	v19 =	vsel vm2, $0x3F, v19;
	v16 =	vsel vm4, v18, v16  }
0xce: {  	v18 =	vsel vm0, v20, v28;
	v17 =	vsel vm3, v19, v17;
	vm0 =	vgt.f32 v16, v22  }
0xcf: {  	s19 =	sadd.s32 $0x80, s19;
	v17 =	vsel vm4, v17, v18;
	v16 =	vsel vm0, v16, v22  }
0xd0: {  	s20 =	sor.u32 s19, s21;
	v17 =	vsel vm0, v17, v23;
	[tilespmem:s17+$0x0] =	vst v16  }
0xd1: {  	s22 =	sand.u32 $0x70, s21;
	s23 =	sand.u32 $0x400, s19;
	s24 =	sor.u32 $0x380, s20;
	[tilespmem:s18+$0x0] =	vst v17  }
0xd2: {  	s20 =	sor.u32 s22, s23;
	v17 =	vld [tilespmem:s24+$0x2000]  }
0xd3: {  	v16 =	vld [tilespmem:s20+$0x2B80]  }
0xd4: {  	v18 =	vld [tilespmem:s20+$0x2080]  }
0xd5: {  	v20 =	vld [tilespmem:s20+$0x2000]  }
0xd6: {  	v19 =	vld [tilespmem:s20+$0x2300]  }
0xd7: {  	v21 =	vld [tilespmem:s20+$0x2100]  }
0xd8: {  	v22 =	vld [tilespmem:s20+$0x2200]  }
0xd9: {  	v23 =	vld [tilespmem:s20+$0x2180]  }
0xda: {  	vm0 =	vgt.f32 v18, v20;
	v25 =	vld [tilespmem:s20+$0x2880]  }
0xdb: {  	v18 =	vsel vm0, v18, v20;
	v26 =	vld [tilespmem:s20+$0x2800]  }
0xdc: {  	vm1 =	vgt.f32 v21, v18;
	v27 =	vld [tilespmem:s20+$0x2280]  }
0xdd: {  	v20 =	vsel vm1, v21, v18;
	v28 =	vld [tilespmem:s20+$0x2900]  }
0xde: {  	vm2 =	vgt.f32 v23, v20;
	v18 =	vld [tilespmem:s20+$0x2B00]  }
0xdf: {  	v21 =	vsel vm2, v23, v20;
	v24 =	vld [tilespmem:s20+$0x2980]  }
.Ltmp1:
0xe0: {  	v23 =	vsel vm0, $0x21, v4;
	vm3 =	vgt.f32 v22, v21;
	vm0 =	vgt.f32 v25, v26;
	v20 =	vld [tilespmem:s20+$0x2A80];
	(pc) =	sbr.rel @p0 .LBB2_4-.Ltmp1, $4  }
0xe1: {  	v23 =	vsel vm1, $0x22, v23;
	v22 =	vsel vm3, v22, v21;
	v29 =	vsel vm0, v25, v26;
	v25 =	vld [tilespmem:s20+$0x2A00]  }
0xe2: {  	v23 =	vsel vm2, $0x23, v23;
	vm2 =	vgt.f32 v27, v22;
	vm1 =	vgt.f32 v28, v29;
	v21 =	vld [tilespmem:s20+$0x3080]  }
0xe3: {  	v23 =	vsel vm3, $0x24, v23;
	v26 =	vsel vm2, v27, v22;
	v27 =	vsel vm1, v28, v29;
	v22 =	vld [tilespmem:s20+$0x3000]  }
0xe4: {  	s21 =	sadd.s32 $0x10, s21;
	v28 =	vsel vm2, $0x25, v23;
	vm3 =	vgt.f32 v19, v26;
	vm2 =	vgt.f32 v24, v27;
	v23 =	vld [tilespmem:s20+$0x3880]  }
0xe5: {  	v28 =	vsel vm3, $0x26, v28;
	v29 =	vsel vm0, $0x29, v5;
	v24 =	vsel vm2, v24, v27;
	v27 =	vld [tilespmem:s20+$0x3800]  }
0xe6: {  	v19 =	vsel vm3, v19, v26;
	v26 =	vsel vm1, $0x2A, v29;
	vm0 =	vgt.f32 v25, v24;
	v29 =	vld [tilespmem:s20+$0x3100]  }
0xe7: {  	vm1 =	vgt.f32 v17, v19;
	v26 =	vsel vm2, $0x2B, v26;
	v24 =	vsel vm0, v25, v24;
	v25 =	vld [tilespmem:s20+$0x3900]  }
0xe8: {  	v30 =	vld [tilespmem:s20+$0x3180];
	v28 =	vsel vm1, $0x27, v28;
	v26 =	vsel vm0, $0x2C, v26;
	vm0 =	vgt.f32 v20, v24  }
0xe9: {  	v17 =	vsel vm1, v17, v19;
	vm3 =	vgt.f32 v21, v22;
	v19 =	vsel vm0, v20, v24;
	v24 =	vld [tilespmem:s20+$0x3980]  }
0xea: {  	v20 =	vsel vm0, $0x2D, v26;
	v26 =	vld [tilespmem:s20+$0x3200];
	vm1 =	vgt.f32 v18, v19;
	vm0 =	vgt.f32 v23, v27  }
0xeb: {  	v21 =	vsel vm3, v21, v22;
	v20 =	vsel vm1, $0x2E, v20;
	v22 =	vsel vm0, v23, v27;
	v23 =	vld [tilespmem:s20+$0x3A00]  }
0xec: {  	v18 =	vsel vm1, v18, v19;
	vm4 =	vgt.f32 v29, v21;
	v19 =	vld [tilespmem:s20+$0x3280];
	vm2 =	vgt.f32 v25, v22  }
0xed: {  	vm1 =	vgt.f32 v16, v18;
	v21 =	vsel vm4, v29, v21;
	v22 =	vsel vm2, v25, v22;
	v25 =	vld [tilespmem:s20+$0x3A80]  }
0xee: {  	v27 =	vld [tilespmem:s20+$0x3300];
	v20 =	vsel vm1, $0x2F, v20;
	vm5 =	vgt.f32 v30, v21;
	vm6 =	vgt.f32 v24, v22  }
0xef: {  	v16 =	vsel vm1, v16, v18;
	v18 =	vsel vm5, v30, v21;
	v21 =	vsel vm6, v24, v22;
	v22 =	vld [tilespmem:s20+$0x3B00]  }
0xf0: {  	vm1 =	vgt.f32 v16, v17;
	vm7 =	vgt.f32 v26, v18;
	v24 =	vld [tilespmem:s20+$0x3380];
	vm8 =	vgt.f32 v23, v21  }
0xf1: {  	v16 =	vsel vm1, v16, v17;
	v18 =	vsel vm7, v26, v18;
	v21 =	vsel vm8, v23, v21;
	v23 =	vld [tilespmem:s20+$0x3B80]  }
0xf2: {  	v17 =	vsel vm3, $0x31, v6;
	vm3 =	vgt.f32 v19, v18;
	vm9 =	vgt.f32 v25, v21  }
0xf3: {  	v17 =	vsel vm4, $0x32, v17;
	v18 =	vsel vm3, v19, v18;
	v19 =	vsel vm9, v25, v21  }
0xf4: {  	v17 =	vsel vm5, $0x33, v17;
	vm4 =	vgt.f32 v27, v18;
	vm5 =	vgt.f32 v22, v19  }
0xf5: {  	v21 =	vsel vm0, $0x39, v7;
	v18 =	vsel vm4, v27, v18;
	v19 =	vsel vm5, v22, v19  }
0xf6: {  	s17 =	sadd.s32 $0x10, s17;
	v21 =	vsel vm2, $0x3A, v21;
	vm0 =	vgt.f32 v24, v18;
	vm2 =	vgt.f32 v23, v19  }
0xf7: {  	v22 =	vld [tilespmem:s17+$0x0];
	v21 =	vsel vm6, $0x3B, v21;
	v18 =	vsel vm0, v24, v18;
	v19 =	vsel vm2, v23, v19  }
0xf8: {  	s18 =	sadd.s32 $0x10, s18;
	v17 =	vsel vm7, $0x34, v17;
	v21 =	vsel vm8, $0x3C, v21;
	vm14 =	vgt.f32 v19, v18  }
0xf9: {  	v17 =	vsel vm3, $0x35, v17;
	v23 =	vld [tilespmem:s18+$0x0];
	v21 =	vsel vm9, $0x3D, v21;
	v18 =	vsel vm14, v19, v18  }
0xfa: {  	v17 =	vsel vm4, $0x36, v17;
	v19 =	vsel vm5, $0x3E, v21;
	vm3 =	vgt.f32 v18, v16  }
0xfb: {  	v17 =	vsel vm0, $0x37, v17;
	v19 =	vsel vm2, $0x3F, v19;
	v16 =	vsel vm3, v18, v16  }
0xfc: {  	v18 =	vsel vm1, v20, v28;
	v17 =	vsel vm14, v19, v17;
	vm0 =	vgt.f32 v16, v22  }
0xfd: {  	v17 =	vsel vm3, v17, v18;
	v16 =	vsel vm0, v16, v22  }
0xfe: {  	v17 =	vsel vm0, v17, v23;
	[tilespmem:s17+$0x0] =	vst v16  }
0xff: {  	[tilespmem:s18+$0x0] =	vst v17  }
0x100: {  	[tilespmem:s11], [sflag:$0x2] =	stream.strided.gather [hbm4b:s6+s9], $0x2000, s10, s9, $0x38;
	[tilespmem:$0x4200] =	vst v63  }
0x101: {  	s29 =	simm.s32 $0x0;
	_ =	swait.ge [sflag:s12], $0x2000  }
0x102: {  	s30 =	sor.u32 s29, s29;
	s19 =	sand.u32 $0x70, s29;
	[sflag:s12] =	ssyncset.done $0x0  }
0x103: {  	s17 =	sand.u32 $0x400, s29;
	s18 =	sor.u32 $0x380, s30;
	[sflag:s12] =	ssyncadd.s32 $0xFFFFE000  }
0x104: {  	s17 =	sor.u32 s19, s17;
	v16 =	vld [tilespmem:s18+$0x0]  }
0x105: {  	v17 =	vld [tilespmem:s17+$0xB80]  }
0x106: {  	v18 =	vld [tilespmem:s17+$0x80]  }
0x107: {  	v19 =	vld [tilespmem:s17+$0x0]  }
0x108: {  	v20 =	vld [tilespmem:s17+$0x300]  }
0x109: {  	v21 =	vld [tilespmem:s17+$0x100]  }
0x10a: {  	v22 =	vld [tilespmem:s17+$0x200]  }
0x10b: {  	v23 =	vld [tilespmem:s17+$0x180]  }
0x10c: {  	v24 =	vld [tilespmem:s17+$0x880];
	vm0 =	vgt.f32 v18, v19  }
0x10d: {  	v18 =	vsel vm0, v18, v19;
	v19 =	vld [tilespmem:s17+$0x800]  }
0x10e: {  	v25 =	vld [tilespmem:s17+$0x280];
	vm1 =	vgt.f32 v21, v18  }
0x10f: {  	v18 =	vsel vm1, v21, v18;
	v21 =	vld [tilespmem:s17+$0x900]  }
0x110: {  	v26 =	vld [tilespmem:s17+$0xB00];
	vm2 =	vgt.f32 v23, v18  }
0x111: {  	v18 =	vsel vm2, v23, v18;
	v23 =	vld [tilespmem:s17+$0x980]  }
0x112: {  	v28 =	vld [tilespmem:s17+$0xA80];
	v27 =	vsel vm0, $0x41, v8;
	vm0 =	vgt.f32 v22, v18;
	vm3 =	vgt.f32 v24, v19  }
0x113: {  	v27 =	vsel vm1, $0x42, v27;
	v18 =	vsel vm0, v22, v18;
	v19 =	vsel vm3, v24, v19;
	v22 =	vld [tilespmem:s17+$0xA00]  }
0x114: {  	v24 =	vsel vm2, $0x43, v27;
	v27 =	vld [tilespmem:s17+$0x1080];
	vm1 =	vgt.f32 v25, v18;
	vm2 =	vgt.f32 v21, v19  }
0x115: {  	v24 =	vsel vm0, $0x44, v24;
	v18 =	vsel vm1, v25, v18;
	v19 =	vsel vm2, v21, v19;
	v21 =	vld [tilespmem:s17+$0x1000]  }
0x116: {  	v24 =	vsel vm1, $0x45, v24;
	v25 =	vld [tilespmem:s17+$0x1880];
	vm0 =	vgt.f32 v20, v18;
	vm1 =	vgt.f32 v23, v19  }
0x117: {  	v29 =	vsel vm3, $0x49, v9;
	v24 =	vsel vm0, $0x46, v24;
	v19 =	vsel vm1, v23, v19;
	v23 =	vld [tilespmem:s17+$0x1800]  }
0x118: {  	v18 =	vsel vm0, v20, v18;
	v20 =	vsel vm2, $0x4A, v29;
	v29 =	vld [tilespmem:s17+$0x1100];
	vm0 =	vgt.f32 v22, v19  }
0x119: {  	vm2 =	vgt.f32 v16, v18;
	v20 =	vsel vm1, $0x4B, v20;
	v19 =	vsel vm0, v22, v19;
	v22 =	vld [tilespmem:s17+$0x1900]  }
0x11a: {  	v30 =	vld [tilespmem:s17+$0x1180];
	v20 =	vsel vm0, $0x4C, v20;
	v16 =	vsel vm2, v16, v18;
	vm0 =	vgt.f32 v28, v19  }
0x11b: {  	vm3 =	vgt.f32 v27, v21;
	v18 =	vsel vm0, v28, v19;
	v19 =	vsel vm0, $0x4D, v20;
	v20 =	vld [tilespmem:s17+$0x1980]  }
0x11c: {  	v24 =	vsel vm2, $0x47, v24;
	v28 =	vld [tilespmem:s17+$0x1200];
	v21 =	vsel vm3, v27, v21;
	vm0 =	vgt.f32 v25, v23  }
0x11d: {  	vm1 =	vgt.f32 v26, v18;
	vm4 =	vgt.f32 v29, v21;
	v23 =	vsel vm0, v25, v23;
	v25 =	vld [tilespmem:s17+$0x1A00]  }
0x11e: {  	v19 =	vsel vm1, $0x4E, v19;
	v18 =	vsel vm1, v26, v18;
	v26 =	vld [tilespmem:s17+$0x1280];
	vm2 =	vgt.f32 v22, v23  }
0x11f: {  	v21 =	vsel vm4, v29, v21;
	vm1 =	vgt.f32 v17, v18;
	v22 =	vsel vm2, v22, v23;
	v23 =	vld [tilespmem:s17+$0x1A80]  }
0x120: {  	v27 =	vld [tilespmem:s17+$0x1300];
	vm5 =	vgt.f32 v30, v21;
	v19 =	vsel vm1, $0x4F, v19;
	vm15 =	vgt.f32 v20, v22  }
0x121: {  	v17 =	vsel vm1, v17, v18;
	v18 =	vsel vm5, v30, v21;
	v21 =	vld [tilespmem:s17+$0x1B00];
	v20 =	vsel vm15, v20, v22  }
0x122: {  	vm12 =	vgt.f32 v28, v18;
	vm1 =	vgt.f32 v17, v16;
	v22 =	vld [tilespmem:s17+$0x1380];
	vm13 =	vgt.f32 v25, v20  }
0x123: {  	v18 =	vsel vm12, v28, v18;
	v16 =	vsel vm1, v17, v16;
	v20 =	vsel vm13, v25, v20;
	v25 =	vld [tilespmem:s17+$0x1B80]  }
0x124: {  	v17 =	vsel vm3, $0x51, v10;
	vm3 =	vgt.f32 v26, v18;
	vm14 =	vgt.f32 v23, v20  }
0x125: {  	v17 =	vsel vm4, $0x52, v17;
	v18 =	vsel vm3, v26, v18;
	v20 =	vsel vm14, v23, v20  }
0x126: {  	v17 =	vsel vm5, $0x53, v17;
	vm4 =	vgt.f32 v27, v18;
	vm5 =	vgt.f32 v21, v20  }
0x127: {  	v18 =	vsel vm4, v27, v18;
	v23 =	vsel vm0, $0x59, v11;
	v20 =	vsel vm5, v21, v20  }
0x128: {  	s17 =	simm.s32 $0x4000;
	vm0 =	vgt.f32 v22, v18;
	v21 =	vsel vm2, $0x5A, v23;
	vm2 =	vgt.f32 v25, v20  }
0x129: {  	v23 =	vld [tilespmem:s17+$0x0];
	v18 =	vsel vm0, v22, v18;
	v21 =	vsel vm15, $0x5B, v21;
	v20 =	vsel vm2, v25, v20  }
0x12a: {  	s18 =	simm.s32 $0x4100;
	v17 =	vsel vm12, $0x54, v17;
	v21 =	vsel vm13, $0x5C, v21;
	vm15 =	vgt.f32 v20, v18  }
0x12b: {  	v17 =	vsel vm3, $0x55, v17;
	v22 =	vld [tilespmem:s18+$0x0];
	v21 =	vsel vm14, $0x5D, v21;
	v18 =	vsel vm15, v20, v18  }
0x12c: {  	v17 =	vsel vm4, $0x56, v17;
	v20 =	vsel vm5, $0x5E, v21;
	vm3 =	vgt.f32 v18, v16  }
0x12d: {  	v17 =	vsel vm0, $0x57, v17;
	v20 =	vsel vm2, $0x5F, v20;
	v16 =	vsel vm3, v18, v16  }
0x12e: {  	v18 =	vsel vm1, v19, v24;
	v17 =	vsel vm15, v20, v17;
	vm0 =	vgt.f32 v16, v23  }
0x12f: {  	s31 =	simm.s32 $0x10;
	s19 =	simm.s32 $0x80;
	v17 =	vsel vm3, v17, v18;
	v16 =	vsel vm0, v16, v23  }
0x130: {  	s21 =	sor.u32 s19, s31;
	v17 =	vsel vm0, v17, v22;
	[tilespmem:s17+$0x0] =	vst v16  }
0x131: {  	s20 =	sand.u32 $0x70, s31;
	s22 =	sand.u32 $0x400, s19;
	s21 =	sor.u32 $0x380, s21;
	[tilespmem:s18+$0x0] =	vst v17  }
0x132: {  	s20 =	sor.u32 s20, s22;
	v17 =	vld [tilespmem:s21+$0x0]  }
0x133: {  	v16 =	vld [tilespmem:s20+$0xB80]  }
0x134: {  	v18 =	vld [tilespmem:s20+$0x80]  }
0x135: {  	v20 =	vld [tilespmem:s20+$0x0]  }
0x136: {  	v19 =	vld [tilespmem:s20+$0x300]  }
0x137: {  	v21 =	vld [tilespmem:s20+$0x100]  }
0x138: {  	v22 =	vld [tilespmem:s20+$0x200]  }
0x139: {  	v23 =	vld [tilespmem:s20+$0x180]  }
0x13a: {  	v25 =	vld [tilespmem:s20+$0x880];
	vm0 =	vgt.f32 v18, v20  }
0x13b: {  	v26 =	vld [tilespmem:s20+$0x800];
	v18 =	vsel vm0, v18, v20  }
0x13c: {  	v27 =	vld [tilespmem:s20+$0x280];
	vm1 =	vgt.f32 v21, v18  }
0x13d: {  	v28 =	vld [tilespmem:s20+$0x900];
	v20 =	vsel vm1, v21, v18  }
0x13e: {  	v24 =	vld [tilespmem:s20+$0x980];
	vm2 =	vgt.f32 v23, v20  }
0x13f: {  	v18 =	vld [tilespmem:s20+$0xB00];
	v21 =	vsel vm2, v23, v20  }
0x140: {  	v23 =	vsel vm0, $0x41, v8;
	vm0 =	vgt.f32 v25, v26;
	v20 =	vld [tilespmem:s20+$0xA80];
	vm3 =	vgt.f32 v22, v21  }
0x141: {  	v23 =	vsel vm1, $0x42, v23;
	v29 =	vsel vm0, v25, v26;
	v25 =	vld [tilespmem:s20+$0xA00];
	v22 =	vsel vm3, v22, v21  }
0x142: {  	v23 =	vsel vm2, $0x43, v23;
	vm1 =	vgt.f32 v28, v29;
	v21 =	vld [tilespmem:s20+$0x1080];
	vm2 =	vgt.f32 v27, v22  }
0x143: {  	v23 =	vsel vm3, $0x44, v23;
	v26 =	vsel vm2, v27, v22;
	v27 =	vsel vm1, v28, v29;
	v22 =	vld [tilespmem:s20+$0x1000]  }
0x144: {  	s21 =	simm.s32 $0x20;
	v28 =	vsel vm2, $0x45, v23;
	v23 =	vld [tilespmem:s20+$0x1880];
	vm3 =	vgt.f32 v19, v26;
	vm2 =	vgt.f32 v24, v27  }
.LBB2_6:
0x145: {  	p0 =	sne.s32 s21, $0xF0;
	v28 =	vsel vm3, $0x46, v28;
	v29 =	vsel vm0, $0x49, v9;
	v24 =	vsel vm2, v24, v27;
	v27 =	vld [tilespmem:s20+$0x1800]  }
0x146: {  	v19 =	vsel vm3, v19, v26;
	v26 =	vsel vm1, $0x4A, v29;
	vm0 =	vgt.f32 v25, v24;
	v29 =	vld [tilespmem:s20+$0x1100]  }
0x147: {  	vm1 =	vgt.f32 v17, v19;
	v26 =	vsel vm2, $0x4B, v26;
	v24 =	vsel vm0, v25, v24;
	v25 =	vld [tilespmem:s20+$0x1900]  }
0x148: {  	v28 =	vsel vm1, $0x47, v28;
	v26 =	vsel vm0, $0x4C, v26;
	vm0 =	vgt.f32 v20, v24;
	v30 =	vld [tilespmem:s20+$0x1180]  }
0x149: {  	v17 =	vsel vm1, v17, v19;
	v19 =	vsel vm0, v20, v24;
	v20 =	vsel vm0, $0x4D, v26;
	v24 =	vld [tilespmem:s20+$0x1980]  }
0x14a: {  	vm4 =	vgt.f32 v21, v22;
	vm0 =	vgt.f32 v18, v19;
	v26 =	vld [tilespmem:s20+$0x1200];
	vm1 =	vgt.f32 v23, v27  }
0x14b: {  	v21 =	vsel vm4, v21, v22;
	v20 =	vsel vm0, $0x4E, v20;
	v22 =	vsel vm1, v23, v27;
	v23 =	vld [tilespmem:s20+$0x1A00]  }
0x14c: {  	v18 =	vsel vm0, v18, v19;
	vm7 =	vgt.f32 v29, v21;
	v19 =	vld [tilespmem:s20+$0x1280];
	vm2 =	vgt.f32 v25, v22  }
0x14d: {  	vm0 =	vgt.f32 v16, v18;
	v21 =	vsel vm7, v29, v21;
	v22 =	vsel vm2, v25, v22;
	v25 =	vld [tilespmem:s20+$0x1A80]  }
0x14e: {  	v20 =	vsel vm0, $0x4F, v20;
	vm8 =	vgt.f32 v30, v21;
	v27 =	vld [tilespmem:s20+$0x1300];
	vm3 =	vgt.f32 v24, v22  }
0x14f: {  	v16 =	vsel vm0, v16, v18;
	v18 =	vsel vm8, v30, v21;
	v21 =	vsel vm3, v24, v22;
	v22 =	vld [tilespmem:s20+$0x1B00]  }
0x150: {  	vm0 =	vgt.f32 v16, v17;
	vm5 =	vgt.f32 v26, v18;
	v24 =	vld [tilespmem:s20+$0x1380];
	vm6 =	vgt.f32 v23, v21  }
0x151: {  	v16 =	vsel vm0, v16, v17;
	v18 =	vsel vm5, v26, v18;
	v21 =	vsel vm6, v23, v21;
	v23 =	vld [tilespmem:s20+$0x1B80]  }
0x152: {  	v17 =	vsel vm4, $0x51, v10;
	vm4 =	vgt.f32 v19, v18;
	vm9 =	vgt.f32 v25, v21  }
0x153: {  	v17 =	vsel vm7, $0x52, v17;
	v18 =	vsel vm4, v19, v18;
	v19 =	vsel vm9, v25, v21  }
0x154: {  	v17 =	vsel vm8, $0x53, v17;
	vm7 =	vgt.f32 v27, v18;
	vm8 =	vgt.f32 v22, v19  }
0x155: {  	v21 =	vsel vm1, $0x59, v11;
	v18 =	vsel vm7, v27, v18;
	v19 =	vsel vm8, v22, v19  }
0x156: {  	s17 =	sadd.s32 $0x10, s17;
	v21 =	vsel vm2, $0x5A, v21;
	vm1 =	vgt.f32 v24, v18;
	vm2 =	vgt.f32 v23, v19  }
0x157: {  	v21 =	vsel vm3, $0x5B, v21;
	v18 =	vsel vm1, v24, v18;
	v22 =	vld [tilespmem:s17+$0x0];
	v19 =	vsel vm2, v23, v19  }
0x158: {  	s18 =	sadd.s32 $0x10, s18;
	v17 =	vsel vm5, $0x54, v17;
	v21 =	vsel vm6, $0x5C, v21;
	vm3 =	vgt.f32 v19, v18  }
0x159: {  	v17 =	vsel vm4, $0x55, v17;
	v21 =	vsel vm9, $0x5D, v21;
	v23 =	vld [tilespmem:s18+$0x0];
	v18 =	vsel vm3, v19, v18  }
0x15a: {  	v17 =	vsel vm7, $0x56, v17;
	v19 =	vsel vm8, $0x5E, v21;
	vm4 =	vgt.f32 v18, v16  }
0x15b: {  	v17 =	vsel vm1, $0x57, v17;
	v19 =	vsel vm2, $0x5F, v19;
	v16 =	vsel vm4, v18, v16  }
0x15c: {  	v18 =	vsel vm0, v20, v28;
	v17 =	vsel vm3, v19, v17;
	vm0 =	vgt.f32 v16, v22  }
0x15d: {  	s19 =	sadd.s32 $0x80, s19;
	v17 =	vsel vm4, v17, v18;
	v16 =	vsel vm0, v16, v22  }
0x15e: {  	s20 =	sor.u32 s19, s21;
	v17 =	vsel vm0, v17, v23;
	[tilespmem:s17+$0x0] =	vst v16  }
0x15f: {  	s22 =	sand.u32 $0x70, s21;
	s23 =	sand.u32 $0x400, s19;
	s24 =	sor.u32 $0x380, s20;
	[tilespmem:s18+$0x0] =	vst v17  }
0x160: {  	s20 =	sor.u32 s22, s23;
	v17 =	vld [tilespmem:s24+$0x0]  }
0x161: {  	v16 =	vld [tilespmem:s20+$0xB80]  }
0x162: {  	v18 =	vld [tilespmem:s20+$0x80]  }
0x163: {  	v20 =	vld [tilespmem:s20+$0x0]  }
0x164: {  	v19 =	vld [tilespmem:s20+$0x300]  }
0x165: {  	v21 =	vld [tilespmem:s20+$0x100]  }
0x166: {  	v22 =	vld [tilespmem:s20+$0x200]  }
0x167: {  	v23 =	vld [tilespmem:s20+$0x180]  }
0x168: {  	vm0 =	vgt.f32 v18, v20;
	v25 =	vld [tilespmem:s20+$0x880]  }
0x169: {  	v18 =	vsel vm0, v18, v20;
	v26 =	vld [tilespmem:s20+$0x800]  }
0x16a: {  	vm1 =	vgt.f32 v21, v18;
	v27 =	vld [tilespmem:s20+$0x280]  }
0x16b: {  	v20 =	vsel vm1, v21, v18;
	v28 =	vld [tilespmem:s20+$0x900]  }
0x16c: {  	vm2 =	vgt.f32 v23, v20;
	v18 =	vld [tilespmem:s20+$0xB00]  }
0x16d: {  	v21 =	vsel vm2, v23, v20;
	v24 =	vld [tilespmem:s20+$0x980]  }
.Ltmp2:
0x16e: {  	v23 =	vsel vm0, $0x41, v8;
	vm3 =	vgt.f32 v22, v21;
	vm0 =	vgt.f32 v25, v26;
	v20 =	vld [tilespmem:s20+$0xA80];
	(pc) =	sbr.rel @p0 .LBB2_6-.Ltmp2, $4  }
0x16f: {  	v23 =	vsel vm1, $0x42, v23;
	v22 =	vsel vm3, v22, v21;
	v29 =	vsel vm0, v25, v26;
	v25 =	vld [tilespmem:s20+$0xA00]  }
0x170: {  	v23 =	vsel vm2, $0x43, v23;
	vm2 =	vgt.f32 v27, v22;
	vm1 =	vgt.f32 v28, v29;
	v21 =	vld [tilespmem:s20+$0x1080]  }
0x171: {  	v23 =	vsel vm3, $0x44, v23;
	v26 =	vsel vm2, v27, v22;
	v27 =	vsel vm1, v28, v29;
	v22 =	vld [tilespmem:s20+$0x1000]  }
0x172: {  	s21 =	sadd.s32 $0x10, s21;
	v28 =	vsel vm2, $0x45, v23;
	vm3 =	vgt.f32 v19, v26;
	vm2 =	vgt.f32 v24, v27;
	v23 =	vld [tilespmem:s20+$0x1880]  }
0x173: {  	v28 =	vsel vm3, $0x46, v28;
	v29 =	vsel vm0, $0x49, v9;
	v24 =	vsel vm2, v24, v27;
	v27 =	vld [tilespmem:s20+$0x1800]  }
0x174: {  	v19 =	vsel vm3, v19, v26;
	v26 =	vsel vm1, $0x4A, v29;
	vm0 =	vgt.f32 v25, v24;
	v29 =	vld [tilespmem:s20+$0x1100]  }
0x175: {  	vm1 =	vgt.f32 v17, v19;
	v26 =	vsel vm2, $0x4B, v26;
	v24 =	vsel vm0, v25, v24;
	v25 =	vld [tilespmem:s20+$0x1900]  }
0x176: {  	v30 =	vld [tilespmem:s20+$0x1180];
	v28 =	vsel vm1, $0x47, v28;
	v26 =	vsel vm0, $0x4C, v26;
	vm0 =	vgt.f32 v20, v24  }
0x177: {  	v17 =	vsel vm1, v17, v19;
	vm3 =	vgt.f32 v21, v22;
	v19 =	vsel vm0, v20, v24;
	v24 =	vld [tilespmem:s20+$0x1980]  }
0x178: {  	v20 =	vsel vm0, $0x4D, v26;
	v26 =	vld [tilespmem:s20+$0x1200];
	vm1 =	vgt.f32 v18, v19;
	vm0 =	vgt.f32 v23, v27  }
0x179: {  	v21 =	vsel vm3, v21, v22;
	v20 =	vsel vm1, $0x4E, v20;
	v22 =	vsel vm0, v23, v27;
	v23 =	vld [tilespmem:s20+$0x1A00]  }
0x17a: {  	v18 =	vsel vm1, v18, v19;
	vm4 =	vgt.f32 v29, v21;
	v19 =	vld [tilespmem:s20+$0x1280];
	vm2 =	vgt.f32 v25, v22  }
0x17b: {  	vm1 =	vgt.f32 v16, v18;
	v21 =	vsel vm4, v29, v21;
	v22 =	vsel vm2, v25, v22;
	v25 =	vld [tilespmem:s20+$0x1A80]  }
0x17c: {  	v27 =	vld [tilespmem:s20+$0x1300];
	v20 =	vsel vm1, $0x4F, v20;
	vm5 =	vgt.f32 v30, v21;
	vm6 =	vgt.f32 v24, v22  }
0x17d: {  	v16 =	vsel vm1, v16, v18;
	v18 =	vsel vm5, v30, v21;
	v21 =	vsel vm6, v24, v22;
	v22 =	vld [tilespmem:s20+$0x1B00]  }
0x17e: {  	vm1 =	vgt.f32 v16, v17;
	vm7 =	vgt.f32 v26, v18;
	v24 =	vld [tilespmem:s20+$0x1380];
	vm8 =	vgt.f32 v23, v21  }
0x17f: {  	v16 =	vsel vm1, v16, v17;
	v18 =	vsel vm7, v26, v18;
	v21 =	vsel vm8, v23, v21;
	v23 =	vld [tilespmem:s20+$0x1B80]  }
0x180: {  	v17 =	vsel vm3, $0x51, v10;
	vm3 =	vgt.f32 v19, v18;
	vm9 =	vgt.f32 v25, v21  }
0x181: {  	v17 =	vsel vm4, $0x52, v17;
	v18 =	vsel vm3, v19, v18;
	v19 =	vsel vm9, v25, v21  }
0x182: {  	v17 =	vsel vm5, $0x53, v17;
	vm4 =	vgt.f32 v27, v18;
	vm5 =	vgt.f32 v22, v19  }
0x183: {  	v21 =	vsel vm0, $0x59, v11;
	v18 =	vsel vm4, v27, v18;
	v19 =	vsel vm5, v22, v19  }
0x184: {  	s17 =	sadd.s32 $0x10, s17;
	v21 =	vsel vm2, $0x5A, v21;
	vm0 =	vgt.f32 v24, v18;
	vm2 =	vgt.f32 v23, v19  }
0x185: {  	v22 =	vld [tilespmem:s17+$0x0];
	v21 =	vsel vm6, $0x5B, v21;
	v18 =	vsel vm0, v24, v18;
	v19 =	vsel vm2, v23, v19  }
0x186: {  	s18 =	sadd.s32 $0x10, s18;
	v17 =	vsel vm7, $0x54, v17;
	v21 =	vsel vm8, $0x5C, v21;
	vm14 =	vgt.f32 v19, v18  }
0x187: {  	v17 =	vsel vm3, $0x55, v17;
	v23 =	vld [tilespmem:s18+$0x0];
	v21 =	vsel vm9, $0x5D, v21;
	v18 =	vsel vm14, v19, v18  }
0x188: {  	v17 =	vsel vm4, $0x56, v17;
	v19 =	vsel vm5, $0x5E, v21;
	vm3 =	vgt.f32 v18, v16  }
0x189: {  	v17 =	vsel vm0, $0x57, v17;
	v19 =	vsel vm2, $0x5F, v19;
	v16 =	vsel vm3, v18, v16  }
0x18a: {  	v18 =	vsel vm1, v20, v28;
	v17 =	vsel vm14, v19, v17;
	vm0 =	vgt.f32 v16, v22  }
0x18b: {  	v17 =	vsel vm3, v17, v18;
	v16 =	vsel vm0, v16, v22  }
0x18c: {  	v17 =	vsel vm0, v17, v23;
	[tilespmem:s17+$0x0] =	vst v16  }
0x18d: {  	[tilespmem:s18+$0x0] =	vst v17  }
0x18e: {  	s29 =	simm.s32 $0x0;
	_ =	swait.ge [sflag:s13], $0x2000  }
0x18f: {  	s30 =	sor.u32 s29, s29;
	s19 =	sand.u32 $0x70, s29;
	[sflag:s13] =	ssyncset.done $0x0  }
0x190: {  	s17 =	sand.u32 $0x400, s29;
	s18 =	sor.u32 $0x380, s30;
	[sflag:s13] =	ssyncadd.s32 $0xFFFFE000  }
0x191: {  	s17 =	sor.u32 s19, s17;
	v16 =	vld [tilespmem:s18+$0x2000]  }
0x192: {  	v17 =	vld [tilespmem:s17+$0x2B80]  }
0x193: {  	v18 =	vld [tilespmem:s17+$0x2080]  }
0x194: {  	v19 =	vld [tilespmem:s17+$0x2000]  }
0x195: {  	v20 =	vld [tilespmem:s17+$0x2300]  }
0x196: {  	v21 =	vld [tilespmem:s17+$0x2100]  }
0x197: {  	v22 =	vld [tilespmem:s17+$0x2200]  }
0x198: {  	v23 =	vld [tilespmem:s17+$0x2180]  }
0x199: {  	v24 =	vld [tilespmem:s17+$0x2880];
	vm0 =	vgt.f32 v18, v19  }
0x19a: {  	v18 =	vsel vm0, v18, v19;
	v19 =	vld [tilespmem:s17+$0x2800]  }
0x19b: {  	v25 =	vld [tilespmem:s17+$0x2280];
	vm1 =	vgt.f32 v21, v18  }
0x19c: {  	v18 =	vsel vm1, v21, v18;
	v21 =	vld [tilespmem:s17+$0x2900]  }
0x19d: {  	v26 =	vld [tilespmem:s17+$0x2B00];
	vm2 =	vgt.f32 v23, v18  }
0x19e: {  	v18 =	vsel vm2, v23, v18;
	v23 =	vld [tilespmem:s17+$0x2980]  }
0x19f: {  	v28 =	vld [tilespmem:s17+$0x2A80];
	v27 =	vsel vm0, $0x61, v12;
	vm0 =	vgt.f32 v22, v18;
	vm3 =	vgt.f32 v24, v19  }
0x1a0: {  	v27 =	vsel vm1, $0x62, v27;
	v18 =	vsel vm0, v22, v18;
	v19 =	vsel vm3, v24, v19;
	v22 =	vld [tilespmem:s17+$0x2A00]  }
0x1a1: {  	v24 =	vsel vm2, $0x63, v27;
	v27 =	vld [tilespmem:s17+$0x3080];
	vm1 =	vgt.f32 v25, v18;
	vm2 =	vgt.f32 v21, v19  }
0x1a2: {  	v24 =	vsel vm0, $0x64, v24;
	v18 =	vsel vm1, v25, v18;
	v19 =	vsel vm2, v21, v19;
	v21 =	vld [tilespmem:s17+$0x3000]  }
0x1a3: {  	v24 =	vsel vm1, $0x65, v24;
	v25 =	vld [tilespmem:s17+$0x3880];
	vm0 =	vgt.f32 v20, v18;
	vm1 =	vgt.f32 v23, v19  }
0x1a4: {  	v29 =	vsel vm3, $0x69, v13;
	v24 =	vsel vm0, $0x66, v24;
	v19 =	vsel vm1, v23, v19;
	v23 =	vld [tilespmem:s17+$0x3800]  }
0x1a5: {  	v18 =	vsel vm0, v20, v18;
	v20 =	vsel vm2, $0x6A, v29;
	v29 =	vld [tilespmem:s17+$0x3100];
	vm0 =	vgt.f32 v22, v19  }
0x1a6: {  	vm2 =	vgt.f32 v16, v18;
	v20 =	vsel vm1, $0x6B, v20;
	v19 =	vsel vm0, v22, v19;
	v22 =	vld [tilespmem:s17+$0x3900]  }
0x1a7: {  	v30 =	vld [tilespmem:s17+$0x3180];
	v20 =	vsel vm0, $0x6C, v20;
	v16 =	vsel vm2, v16, v18;
	vm0 =	vgt.f32 v28, v19  }
0x1a8: {  	vm3 =	vgt.f32 v27, v21;
	v18 =	vsel vm0, v28, v19;
	v19 =	vsel vm0, $0x6D, v20;
	v20 =	vld [tilespmem:s17+$0x3980]  }
0x1a9: {  	v24 =	vsel vm2, $0x67, v24;
	v28 =	vld [tilespmem:s17+$0x3200];
	v21 =	vsel vm3, v27, v21;
	vm0 =	vgt.f32 v25, v23  }
0x1aa: {  	vm1 =	vgt.f32 v26, v18;
	vm4 =	vgt.f32 v29, v21;
	v23 =	vsel vm0, v25, v23;
	v25 =	vld [tilespmem:s17+$0x3A00]  }
0x1ab: {  	v19 =	vsel vm1, $0x6E, v19;
	v18 =	vsel vm1, v26, v18;
	v26 =	vld [tilespmem:s17+$0x3280];
	vm2 =	vgt.f32 v22, v23  }
0x1ac: {  	v21 =	vsel vm4, v29, v21;
	vm1 =	vgt.f32 v17, v18;
	v22 =	vsel vm2, v22, v23;
	v23 =	vld [tilespmem:s17+$0x3A80]  }
0x1ad: {  	v27 =	vld [tilespmem:s17+$0x3300];
	vm5 =	vgt.f32 v30, v21;
	v19 =	vsel vm1, $0x6F, v19;
	vm15 =	vgt.f32 v20, v22  }
0x1ae: {  	v17 =	vsel vm1, v17, v18;
	v18 =	vsel vm5, v30, v21;
	v21 =	vld [tilespmem:s17+$0x3B00];
	v20 =	vsel vm15, v20, v22  }
0x1af: {  	vm12 =	vgt.f32 v28, v18;
	vm1 =	vgt.f32 v17, v16;
	v22 =	vld [tilespmem:s17+$0x3380];
	vm13 =	vgt.f32 v25, v20  }
0x1b0: {  	v18 =	vsel vm12, v28, v18;
	v16 =	vsel vm1, v17, v16;
	v20 =	vsel vm13, v25, v20;
	v25 =	vld [tilespmem:s17+$0x3B80]  }
0x1b1: {  	v17 =	vsel vm3, $0x71, v14;
	vm3 =	vgt.f32 v26, v18;
	vm14 =	vgt.f32 v23, v20  }
0x1b2: {  	v17 =	vsel vm4, $0x72, v17;
	v18 =	vsel vm3, v26, v18;
	v20 =	vsel vm14, v23, v20  }
0x1b3: {  	v17 =	vsel vm5, $0x73, v17;
	vm4 =	vgt.f32 v27, v18;
	vm5 =	vgt.f32 v21, v20  }
0x1b4: {  	v18 =	vsel vm4, v27, v18;
	v23 =	vsel vm0, $0x79, v15;
	v20 =	vsel vm5, v21, v20  }
0x1b5: {  	s17 =	simm.s32 $0x4000;
	vm0 =	vgt.f32 v22, v18;
	v21 =	vsel vm2, $0x7A, v23;
	vm2 =	vgt.f32 v25, v20  }
0x1b6: {  	v23 =	vld [tilespmem:s17+$0x0];
	v18 =	vsel vm0, v22, v18;
	v21 =	vsel vm15, $0x7B, v21;
	v20 =	vsel vm2, v25, v20  }
0x1b7: {  	s18 =	simm.s32 $0x4100;
	v17 =	vsel vm12, $0x74, v17;
	v21 =	vsel vm13, $0x7C, v21;
	vm15 =	vgt.f32 v20, v18  }
0x1b8: {  	v17 =	vsel vm3, $0x75, v17;
	v22 =	vld [tilespmem:s18+$0x0];
	v21 =	vsel vm14, $0x7D, v21;
	v18 =	vsel vm15, v20, v18  }
0x1b9: {  	v17 =	vsel vm4, $0x76, v17;
	v20 =	vsel vm5, $0x7E, v21;
	vm3 =	vgt.f32 v18, v16  }
0x1ba: {  	v17 =	vsel vm0, $0x77, v17;
	v20 =	vsel vm2, $0x7F, v20;
	v16 =	vsel vm3, v18, v16  }
0x1bb: {  	v18 =	vsel vm1, v19, v24;
	v17 =	vsel vm15, v20, v17;
	vm0 =	vgt.f32 v16, v23  }
0x1bc: {  	s31 =	simm.s32 $0x10;
	s19 =	simm.s32 $0x80;
	v17 =	vsel vm3, v17, v18;
	v16 =	vsel vm0, v16, v23  }
0x1bd: {  	s21 =	sor.u32 s19, s31;
	v17 =	vsel vm0, v17, v22;
	[tilespmem:s17+$0x0] =	vst v16  }
0x1be: {  	s20 =	sand.u32 $0x70, s31;
	s22 =	sand.u32 $0x400, s19;
	s21 =	sor.u32 $0x380, s21;
	[tilespmem:s18+$0x0] =	vst v17  }
0x1bf: {  	s20 =	sor.u32 s20, s22;
	v17 =	vld [tilespmem:s21+$0x2000]  }
0x1c0: {  	v16 =	vld [tilespmem:s20+$0x2B80]  }
0x1c1: {  	v18 =	vld [tilespmem:s20+$0x2080]  }
0x1c2: {  	v20 =	vld [tilespmem:s20+$0x2000]  }
0x1c3: {  	v19 =	vld [tilespmem:s20+$0x2300]  }
0x1c4: {  	v21 =	vld [tilespmem:s20+$0x2100]  }
0x1c5: {  	v22 =	vld [tilespmem:s20+$0x2200]  }
0x1c6: {  	v23 =	vld [tilespmem:s20+$0x2180]  }
0x1c7: {  	v25 =	vld [tilespmem:s20+$0x2880];
	vm0 =	vgt.f32 v18, v20  }
0x1c8: {  	v26 =	vld [tilespmem:s20+$0x2800];
	v18 =	vsel vm0, v18, v20  }
0x1c9: {  	v27 =	vld [tilespmem:s20+$0x2280];
	vm1 =	vgt.f32 v21, v18  }
0x1ca: {  	v28 =	vld [tilespmem:s20+$0x2900];
	v20 =	vsel vm1, v21, v18  }
0x1cb: {  	v24 =	vld [tilespmem:s20+$0x2980];
	vm2 =	vgt.f32 v23, v20  }
0x1cc: {  	v18 =	vld [tilespmem:s20+$0x2B00];
	v21 =	vsel vm2, v23, v20  }
0x1cd: {  	v23 =	vsel vm0, $0x61, v12;
	vm0 =	vgt.f32 v25, v26;
	v20 =	vld [tilespmem:s20+$0x2A80];
	vm3 =	vgt.f32 v22, v21  }
0x1ce: {  	v23 =	vsel vm1, $0x62, v23;
	v29 =	vsel vm0, v25, v26;
	v25 =	vld [tilespmem:s20+$0x2A00];
	v22 =	vsel vm3, v22, v21  }
0x1cf: {  	v23 =	vsel vm2, $0x63, v23;
	vm1 =	vgt.f32 v28, v29;
	v21 =	vld [tilespmem:s20+$0x3080];
	vm2 =	vgt.f32 v27, v22  }
0x1d0: {  	v23 =	vsel vm3, $0x64, v23;
	v26 =	vsel vm2, v27, v22;
	v27 =	vsel vm1, v28, v29;
	v22 =	vld [tilespmem:s20+$0x3000]  }
0x1d1: {  	s21 =	simm.s32 $0x20;
	v28 =	vsel vm2, $0x65, v23;
	v23 =	vld [tilespmem:s20+$0x3880];
	vm3 =	vgt.f32 v19, v26;
	vm2 =	vgt.f32 v24, v27  }
.LBB2_8:
0x1d2: {  	p0 =	sne.s32 s21, $0xF0;
	v28 =	vsel vm3, $0x66, v28;
	v29 =	vsel vm0, $0x69, v13;
	v24 =	vsel vm2, v24, v27;
	v27 =	vld [tilespmem:s20+$0x3800]  }
0x1d3: {  	v19 =	vsel vm3, v19, v26;
	v26 =	vsel vm1, $0x6A, v29;
	vm0 =	vgt.f32 v25, v24;
	v29 =	vld [tilespmem:s20+$0x3100]  }
0x1d4: {  	vm1 =	vgt.f32 v17, v19;
	v26 =	vsel vm2, $0x6B, v26;
	v24 =	vsel vm0, v25, v24;
	v25 =	vld [tilespmem:s20+$0x3900]  }
0x1d5: {  	v28 =	vsel vm1, $0x67, v28;
	v26 =	vsel vm0, $0x6C, v26;
	vm0 =	vgt.f32 v20, v24;
	v30 =	vld [tilespmem:s20+$0x3180]  }
0x1d6: {  	v17 =	vsel vm1, v17, v19;
	v19 =	vsel vm0, v20, v24;
	v20 =	vsel vm0, $0x6D, v26;
	v24 =	vld [tilespmem:s20+$0x3980]  }
0x1d7: {  	vm4 =	vgt.f32 v21, v22;
	vm0 =	vgt.f32 v18, v19;
	v26 =	vld [tilespmem:s20+$0x3200];
	vm1 =	vgt.f32 v23, v27  }
0x1d8: {  	v21 =	vsel vm4, v21, v22;
	v20 =	vsel vm0, $0x6E, v20;
	v22 =	vsel vm1, v23, v27;
	v23 =	vld [tilespmem:s20+$0x3A00]  }
0x1d9: {  	v18 =	vsel vm0, v18, v19;
	vm7 =	vgt.f32 v29, v21;
	v19 =	vld [tilespmem:s20+$0x3280];
	vm2 =	vgt.f32 v25, v22  }
0x1da: {  	vm0 =	vgt.f32 v16, v18;
	v21 =	vsel vm7, v29, v21;
	v22 =	vsel vm2, v25, v22;
	v25 =	vld [tilespmem:s20+$0x3A80]  }
0x1db: {  	v20 =	vsel vm0, $0x6F, v20;
	vm8 =	vgt.f32 v30, v21;
	v27 =	vld [tilespmem:s20+$0x3300];
	vm3 =	vgt.f32 v24, v22  }
0x1dc: {  	v16 =	vsel vm0, v16, v18;
	v18 =	vsel vm8, v30, v21;
	v21 =	vsel vm3, v24, v22;
	v22 =	vld [tilespmem:s20+$0x3B00]  }
0x1dd: {  	vm0 =	vgt.f32 v16, v17;
	vm5 =	vgt.f32 v26, v18;
	v24 =	vld [tilespmem:s20+$0x3380];
	vm6 =	vgt.f32 v23, v21  }
0x1de: {  	v16 =	vsel vm0, v16, v17;
	v18 =	vsel vm5, v26, v18;
	v21 =	vsel vm6, v23, v21;
	v23 =	vld [tilespmem:s20+$0x3B80]  }
0x1df: {  	v17 =	vsel vm4, $0x71, v14;
	vm4 =	vgt.f32 v19, v18;
	vm9 =	vgt.f32 v25, v21  }
0x1e0: {  	v17 =	vsel vm7, $0x72, v17;
	v18 =	vsel vm4, v19, v18;
	v19 =	vsel vm9, v25, v21  }
0x1e1: {  	v17 =	vsel vm8, $0x73, v17;
	vm7 =	vgt.f32 v27, v18;
	vm8 =	vgt.f32 v22, v19  }
0x1e2: {  	v21 =	vsel vm1, $0x79, v15;
	v18 =	vsel vm7, v27, v18;
	v19 =	vsel vm8, v22, v19  }
0x1e3: {  	s17 =	sadd.s32 $0x10, s17;
	v21 =	vsel vm2, $0x7A, v21;
	vm1 =	vgt.f32 v24, v18;
	vm2 =	vgt.f32 v23, v19  }
0x1e4: {  	v21 =	vsel vm3, $0x7B, v21;
	v18 =	vsel vm1, v24, v18;
	v22 =	vld [tilespmem:s17+$0x0];
	v19 =	vsel vm2, v23, v19  }
0x1e5: {  	s18 =	sadd.s32 $0x10, s18;
	v17 =	vsel vm5, $0x74, v17;
	v21 =	vsel vm6, $0x7C, v21;
	vm3 =	vgt.f32 v19, v18  }
0x1e6: {  	v17 =	vsel vm4, $0x75, v17;
	v21 =	vsel vm9, $0x7D, v21;
	v23 =	vld [tilespmem:s18+$0x0];
	v18 =	vsel vm3, v19, v18  }
0x1e7: {  	v17 =	vsel vm7, $0x76, v17;
	v19 =	vsel vm8, $0x7E, v21;
	vm4 =	vgt.f32 v18, v16  }
0x1e8: {  	v17 =	vsel vm1, $0x77, v17;
	v19 =	vsel vm2, $0x7F, v19;
	v16 =	vsel vm4, v18, v16  }
0x1e9: {  	v18 =	vsel vm0, v20, v28;
	v17 =	vsel vm3, v19, v17;
	vm0 =	vgt.f32 v16, v22  }
0x1ea: {  	s19 =	sadd.s32 $0x80, s19;
	v17 =	vsel vm4, v17, v18;
	v16 =	vsel vm0, v16, v22  }
0x1eb: {  	s20 =	sor.u32 s19, s21;
	v17 =	vsel vm0, v17, v23;
	[tilespmem:s17+$0x0] =	vst v16  }
0x1ec: {  	s22 =	sand.u32 $0x70, s21;
	s23 =	sand.u32 $0x400, s19;
	s24 =	sor.u32 $0x380, s20;
	[tilespmem:s18+$0x0] =	vst v17  }
0x1ed: {  	s20 =	sor.u32 s22, s23;
	v17 =	vld [tilespmem:s24+$0x2000]  }
0x1ee: {  	v16 =	vld [tilespmem:s20+$0x2B80]  }
0x1ef: {  	v18 =	vld [tilespmem:s20+$0x2080]  }
0x1f0: {  	v20 =	vld [tilespmem:s20+$0x2000]  }
0x1f1: {  	v19 =	vld [tilespmem:s20+$0x2300]  }
0x1f2: {  	v21 =	vld [tilespmem:s20+$0x2100]  }
0x1f3: {  	v22 =	vld [tilespmem:s20+$0x2200]  }
0x1f4: {  	v23 =	vld [tilespmem:s20+$0x2180]  }
0x1f5: {  	vm0 =	vgt.f32 v18, v20;
	v25 =	vld [tilespmem:s20+$0x2880]  }
0x1f6: {  	v18 =	vsel vm0, v18, v20;
	v26 =	vld [tilespmem:s20+$0x2800]  }
0x1f7: {  	vm1 =	vgt.f32 v21, v18;
	v27 =	vld [tilespmem:s20+$0x2280]  }
0x1f8: {  	v20 =	vsel vm1, v21, v18;
	v28 =	vld [tilespmem:s20+$0x2900]  }
0x1f9: {  	vm2 =	vgt.f32 v23, v20;
	v18 =	vld [tilespmem:s20+$0x2B00]  }
0x1fa: {  	v21 =	vsel vm2, v23, v20;
	v24 =	vld [tilespmem:s20+$0x2980]  }
.Ltmp3:
0x1fb: {  	v23 =	vsel vm0, $0x61, v12;
	vm3 =	vgt.f32 v22, v21;
	vm0 =	vgt.f32 v25, v26;
	v20 =	vld [tilespmem:s20+$0x2A80];
	(pc) =	sbr.rel @p0 .LBB2_8-.Ltmp3, $4  }
0x1fc: {  	v23 =	vsel vm1, $0x62, v23;
	v22 =	vsel vm3, v22, v21;
	v29 =	vsel vm0, v25, v26;
	v25 =	vld [tilespmem:s20+$0x2A00]  }
0x1fd: {  	v23 =	vsel vm2, $0x63, v23;
	vm2 =	vgt.f32 v27, v22;
	vm1 =	vgt.f32 v28, v29;
	v21 =	vld [tilespmem:s20+$0x3080]  }
0x1fe: {  	v23 =	vsel vm3, $0x64, v23;
	v26 =	vsel vm2, v27, v22;
	v27 =	vsel vm1, v28, v29;
	v22 =	vld [tilespmem:s20+$0x3000]  }
0x1ff: {  	s21 =	sadd.s32 $0x10, s21;
	v28 =	vsel vm2, $0x65, v23;
	vm3 =	vgt.f32 v19, v26;
	vm2 =	vgt.f32 v24, v27;
	v23 =	vld [tilespmem:s20+$0x3880]  }
0x200: {  	v28 =	vsel vm3, $0x66, v28;
	v29 =	vsel vm0, $0x69, v13;
	v24 =	vsel vm2, v24, v27;
	v40 =	vld [tilespmem:s20+$0x3800]  }
0x201: {  	v19 =	vsel vm3, v19, v26;
	v42 =	vld [tilespmem:s20+$0x3100];
	v41 =	vsel vm1, $0x6A, v29;
	vm11 =	vgt.f32 v25, v24  }
0x202: {  	v43 =	vld [tilespmem:s20+$0x3900];
	vm12 =	vgt.f32 v17, v19;
	v26 =	vsel vm2, $0x6B, v41;
	v24 =	vsel vm11, v25, v24  }
0x203: {  	v30 =	vld [tilespmem:s20+$0x3180];
	v28 =	vsel vm12, $0x67, v28;
	v17 =	vsel vm12, v17, v19;
	vm13 =	vgt.f32 v20, v24  }
0x204: {  	v46 =	vld [tilespmem:s20+$0x3980];
	v26 =	vsel vm11, $0x6C, v26;
	vm15 =	vgt.f32 v21, v22;
	v44 =	vsel vm13, v20, v24  }
0x205: {  	v47 =	vld [tilespmem:s20+$0x3200];
	v45 =	vsel vm13, $0x6D, v26;
	v21 =	vsel vm15, v21, v22;
	vm12 =	vgt.f32 v23, v40  }
0x206: {  	v49 =	vld [tilespmem:s20+$0x3A00];
	vm14 =	vgt.f32 v18, v44;
	vm4 =	vgt.f32 v42, v21;
	v48 =	vsel vm12, v23, v40  }
0x207: {  	v50 =	vld [tilespmem:s20+$0x3280];
	v20 =	vsel vm14, $0x6E, v45;
	v18 =	vsel vm14, v18, v44;
	vm13 =	vgt.f32 v43, v48  }
0x208: {  	v51 =	vld [tilespmem:s20+$0x3A80];
	v21 =	vsel vm4, v42, v21;
	v59 =	vsel vm12, $0x79, v15;
	v22 =	vsel vm13, v43, v48  }
0x209: {  	v52 =	vld [tilespmem:s20+$0x3300];
	vm1 =	vgt.f32 v16, v18;
	vm5 =	vgt.f32 v30, v21;
	vm6 =	vgt.f32 v46, v22  }
0x20a: {  	v55 =	vld [tilespmem:s20+$0x3B00];
	v20 =	vsel vm1, $0x6F, v20;
	v53 =	vsel vm5, v30, v21;
	v54 =	vsel vm6, v46, v22  }
0x20b: {  	v56 =	vld [tilespmem:s20+$0x3380];
	v16 =	vsel vm1, v16, v18;
	vm7 =	vgt.f32 v47, v53;
	vm8 =	vgt.f32 v49, v54  }
0x20c: {  	v57 =	vld [tilespmem:s20+$0x3B80];
	vm1 =	vgt.f32 v16, v17;
	v18 =	vsel vm7, v47, v53;
	v21 =	vsel vm8, v49, v54  }
0x20d: {  	v16 =	vsel vm1, v16, v17;
	vm14 =	vgt.f32 v50, v18;
	vm9 =	vgt.f32 v51, v21  }
0x20e: {  	v17 =	vsel vm15, $0x71, v14;
	v18 =	vsel vm14, v50, v18;
	v58 =	vsel vm9, v51, v21  }
0x20f: {  	v17 =	vsel vm4, $0x72, v17;
	vm15 =	vgt.f32 v52, v18;
	vm10 =	vgt.f32 v55, v58  }
0x210: {  	v17 =	vsel vm5, $0x73, v17;
	v18 =	vsel vm15, v52, v18;
	v19 =	vsel vm10, v55, v58  }
0x211: {  	s17 =	sadd.s32 $0x10, s17;
	v21 =	vsel vm13, $0x7A, v59;
	vm11 =	vgt.f32 v56, v18;
	vm12 =	vgt.f32 v57, v19  }
0x212: {  	v60 =	vld [tilespmem:s17+$0x0];
	v21 =	vsel vm6, $0x7B, v21;
	v18 =	vsel vm11, v56, v18;
	v19 =	vsel vm12, v57, v19  }
0x213: {  	s18 =	sadd.s32 $0x10, s18;
	v17 =	vsel vm7, $0x74, v17;
	v21 =	vsel vm8, $0x7C, v21;
	vm13 =	vgt.f32 v19, v18  }
0x214: {  	v61 =	vld [tilespmem:s18+$0x0];
	v17 =	vsel vm14, $0x75, v17;
	v21 =	vsel vm9, $0x7D, v21;
	v18 =	vsel vm13, v19, v18  }
0x215: {  	v17 =	vsel vm15, $0x76, v17;
	v62 =	vsel vm10, $0x7E, v21;
	vm14 =	vgt.f32 v18, v16  }
0x216: {  	v17 =	vsel vm11, $0x77, v17;
	v19 =	vsel vm12, $0x7F, v62;
	v16 =	vsel vm14, v18, v16  }
0x217: {  	v63 =	vsel vm1, v20, v28;
	v17 =	vsel vm13, v19, v17;
	vm15 =	vgt.f32 v16, v60  }
0x218: {  	s16 =	sadd.s32 $0x1, s16;
	v17 =	vsel vm14, v17, v63;
	v16 =	vsel vm15, v16, v60  }
0x219: {  	p0 =	sne.s32 s16, s8;
	v17 =	vsel vm15, v17, v61;
	[tilespmem:s17+$0x0] =	vst v16  }
.Ltmp4:
0x21a: {  	[tilespmem:s18+$0x0] =	vst v17;
	(pc) =	sbr.rel @p0 .LBB2_1-.Ltmp4, $4  }
0x21b: {  	[hbm4b:s7+s2] =	stream.linear.scatter [tilespmem:s14], [sflag:$0x3], $0x100, $0x38;
	[tilespmem:$0x4200] =	vst v63  }
0x21c: {  	_ =	swait.ge [sflag:s15], $0x100  }
0x21d: {  	[sflag:s15] =	ssyncset.done $0x0  }
0x21e: {  	[sflag:s15] =	ssyncadd.s32 $0xFFFFFF00  }
0x21f: {  	_ =	sfence.sel $0x180000  }
0x220: {  	[bflag:$0x0] =	sbarrier.arrive $0xFFFF  }
0x221: {  	p0 =	sne.s32 s1, $0x0;
	_ =	strace $0x90000047  }
0x222: {  	s0 =	sadd.s32 @!p0 $0x100000, s0;
	[bflag:$0x2] =	sbarrier.arrive $0xFFFF  }
0x223: {  	[sflag:s0] =	ssyncadd.tile.s32 @!p0 $0x1;
	_ =	shalt  }
.Lfunc_end2:
_tile_overlayer_lowered:
.L_overlay_start_2:
0x224: {  	(tag) =	ssettag $0x2  }
0x225: {  	s0 =	rddreg [dreg:$0x0];
	s2 =	stileid.u32  }
0x226: {  	s1 =	rddreg [dreg:$0x1];
	p0 =	sne.s32 s2, $0x0  }
0x227: {  	s3 =	rddreg [dreg:$0x2];
	[bflag:$0x3] =	sbarrier.arrive $0xFFFF;
	s2 =	simm.s32 @!p0 $0x1C04  }
0x228: {  	[timem:s3], [sflag:s2] =	dma.local @!p0 [hbm:s0], s1  }
0x229: {  	s0 =	simm.s32 @!p0 $0x4  }
0x22a: {  	_ =	swait.ge @!p0 [sflag:s0], s1  }
0x22b: {  	s1 =	ssub.s32 @!p0 $0x0, s1;
	[sflag:s0] =	ssyncset.done @!p0 $0x0  }
0x22c: {  	[sflag:s0] =	ssyncadd.s32 @!p0 s1  }
0x22d: {  	[bflag:$0x3] =	sbarrier.arrive $0xFFFF  }
0x22e: {  	_ =	shalt  }

</sc_bundles>
